<compile_context>
chip_gen: v7x
topology: tpu7x:2x2x1
jax: 0.10.2.dev20260603
libtpu: 0.0.44.dev20260713+nightly
codegen_flags: <defaults>
</compile_context>

<pallas_src>
import functools

import jax
import jax.numpy as jnp
from jax import lax
from jax.experimental import pallas as pl
from jax.experimental.pallas import tpu as pltpu
from jax.experimental.pallas import tpu_sc as plsc

NC = 2
NS = 16
NW = NC * NS
CHUNK = 128
K = 13


def _make_sc_gather(n_total, dim):
    per_w = n_total // NW
    n_chunks = per_w // CHUNK
    n_groups = n_chunks // K
    rows_per_group = K * CHUNK
    mesh = plsc.VectorSubcoreMesh(core_axis_name="c", subcore_axis_name="s")

    @functools.partial(
        pl.kernel,
        out_type=jax.ShapeDtypeStruct((n_total, dim), jnp.float32),
        mesh=mesh,
        scratch_types=[
            pltpu.VMEM((n_chunks, CHUNK), jnp.int32),
            pltpu.VMEM((rows_per_group, dim), jnp.float32),
            pltpu.VMEM((rows_per_group, dim), jnp.float32),
            pltpu.SemaphoreType.DMA,
            pltpu.SemaphoreType.DMA,
            pltpu.SemaphoreType.DMA,
            pltpu.SemaphoreType.DMA,
        ],
        compiler_params=pltpu.CompilerParams(use_tc_tiling_on_sc=False),
    )
    def body(idx_hbm, tab_hbm, out_hbm, idx_v, rows0, rows1, g0, g1, o0, o1):
        wid = lax.axis_index("s") * NC + lax.axis_index("c")
        base = wid * per_w
        pltpu.sync_copy(idx_hbm.at[wid], idx_v)

        rows = (rows0, rows1)
        gsem = (g0, g1)
        osem = (o0, o1)

        def fire_gather(g, b):
            for j in range(K):
                pltpu.async_copy(
                    tab_hbm.at[idx_v.at[g * K + j]],
                    rows[b].at[pl.ds(j * CHUNK, CHUNK)],
                    gsem[b],
                )

        def drain_gather(b):
            pltpu.make_async_copy(tab_hbm.at[pl.ds(0, rows_per_group)],
                                  rows[b], gsem[b]).wait()

        def fire_out(g, b):
            pltpu.async_copy(
                rows[b],
                out_hbm.at[pl.ds(base + g * rows_per_group, rows_per_group)],
                osem[b],
            )

        def wait_out(b):
            pltpu.make_async_copy(rows[b],
                                  out_hbm.at[pl.ds(base, rows_per_group)],
                                  osem[b]).wait()

        fire_gather(0, 0)

        def step(g, carry):
            b = g % 2

            def one(bb):
                drain_gather(bb)
                fire_out(g, bb)

                @pl.when(g + 1 < n_groups)
                def _():
                    @pl.when(g >= 1)
                    def _():
                        wait_out(1 - bb)
                    fire_gather(g + 1, 1 - bb)

            @pl.when(b == 0)
            def _():
                one(0)

            @pl.when(b == 1)
            def _():
                one(1)

            return carry

        lax.fori_loop(0, n_groups, step, 0)
        wait_out(0)
        wait_out(1)

    return body


def kernel(x, E):
    b, f = x.shape
    v, d = E.shape
    n_total = b * f
    xf = x.astype(jnp.int32).reshape(NW, n_total // (NW * CHUNK), CHUNK)
    out = _make_sc_gather(n_total, d)(xf, E)
    return out.reshape(b, f, d)

# --- scband reference (transcript-rebuilt; emitter-appended) ---
"""Pipeline reference for scband-embedding-2370821947592 (READ-ONLY COPY).

The authoritative reference and input builder live on the scoring server;
editing this copy changes nothing except your own understanding.
"""

import jax, jax.numpy as jnp
import numpy as np

NUM_EMBEDDINGS = 1000000
EMBEDDING_DIM = 32
BATCH = 16384
N_FIELDS = 26

def setup_inputs(seed: int = 0) -> dict:
    key = jax.random.key(seed)
    k_idx, k_tab = jax.random.split(key)
    x = jax.random.randint(k_idx, (BATCH, N_FIELDS), 0, NUM_EMBEDDINGS, dtype=jnp.int64 if jax.config.jax_enable_x64 else jnp.int32)
    E = jax.random.normal(k_tab, (NUM_EMBEDDINGS, EMBEDDING_DIM), dtype=jnp.float32)
    return {"x": x, "E": E}

def reference(x, E):
    # Faithful to torch: self.E[x] -> gather rows of E by indices x
    return jnp.take(E, x, axis=0)

if __name__ == "__main__":
    import jax
    _d = setup_inputs()
    print(jax.jit(kernel)(*tuple(_d.values())))

</pallas_src>

<mosaic_0001>
#map = affine_map<(d0, d1) -> (0, 0, 0)>
#map1 = affine_map<(d0, d1) -> (0, 0)>
module attributes {stable_mosaic.version = 14 : i64} {
  func.func @body(%arg0: i32, %arg1: i32, %arg2: memref<32x104x128xi32, #tpu.memory_space<hbm>>, %arg3: memref<1000000x32xf32, #tpu.memory_space<hbm>>, %arg4: memref<425984x32xf32, #tpu.memory_space<hbm>>, %arg5: memref<104x128xi32, #tpu.memory_space<vmem>>, %arg6: memref<1664x32xf32, #tpu.memory_space<vmem>>, %arg7: memref<1664x32xf32, #tpu.memory_space<vmem>>, %arg8: memref<!tpu.dma_semaphore, #tpu.memory_space<semaphore_mem>>, %arg9: memref<!tpu.dma_semaphore, #tpu.memory_space<semaphore_mem>>, %arg10: memref<!tpu.dma_semaphore, #tpu.memory_space<semaphore_mem>>, %arg11: memref<!tpu.dma_semaphore, #tpu.memory_space<semaphore_mem>>) attributes {dimension_semantics = [#tpu.dimension_semantics<core_parallel>, #tpu.dimension_semantics<subcore_parallel>], iteration_bounds = array<i64: 2, 16>, scalar_prefetch = 0 : i64, scratch_operands = 7 : i64, tpu.core_type = #tpu.core_type<sc_vector_subcore>, window_params = [{transform_indices = #map}, {transform_indices = #map1}, {transform_indices = #map1}]} {
    %mul3A = arith.constant 2 : i32
    %mul3A_0 = arith.muli %arg1, %mul3A : i32
    %add3A = arith.addi %mul3A_0, %arg0 : i32
    %mul3A_1 = arith.constant 13312 : i32
    %mul3A_2 = arith.muli %add3A, %mul3A_1 : i32
    "tpu.region"() ({
      %run_scoped3A = tpu.sem_alloc : memref<!tpu.dma_semaphore, #tpu.memory_space<semaphore_mem>>
      %dma_start3A_144 = arith.constant 0 : i32
      %dma_start3A_145 = arith.constant 0 : i32
      %dma_start3A_146 = tpu.memref_slice %arg2[%add3A, %dma_start3A_144, %dma_start3A_145] : memref<32x104x128xi32, #tpu.memory_space<hbm>> -> memref<1x104x128xi32, #tpu.memory_space<hbm>>
      %dma_start3A_147 = tpu.memref_squeeze %dma_start3A_146 : memref<1x104x128xi32, #tpu.memory_space<hbm>> -> memref<104x128xi32, #tpu.memory_space<hbm>>
      %dma_start3A_148 = arith.constant 0 : i32
      %dma_start3A_149 = arith.constant 0 : i32
      %dma_start3A_150 = tpu.memref_slice %arg2[%add3A, %dma_start3A_148, %dma_start3A_149] : memref<32x104x128xi32, #tpu.memory_space<hbm>> -> memref<1x104x128xi32, #tpu.memory_space<hbm>>
      %dma_start3A_151 = tpu.memref_squeeze %dma_start3A_150 : memref<1x104x128xi32, #tpu.memory_space<hbm>> -> memref<104x128xi32, #tpu.memory_space<hbm>>
      tpu.enqueue_dma source(%dma_start3A_151 : memref<104x128xi32, #tpu.memory_space<hbm>>) target(%arg5 : memref<104x128xi32, #tpu.memory_space<vmem>>) target_semaphore(%run_scoped3A : memref<!tpu.dma_semaphore, #tpu.memory_space<semaphore_mem>>)
      %dma_wait3A_152 = arith.constant 0 : i32
      %dma_wait3A_153 = arith.constant 0 : i32
      %dma_wait3A_154 = tpu.memref_slice %arg2[%add3A, %dma_wait3A_152, %dma_wait3A_153] : memref<32x104x128xi32, #tpu.memory_space<hbm>> -> memref<1x104x128xi32, #tpu.memory_space<hbm>>
      %dma_wait3A_155 = tpu.memref_squeeze %dma_wait3A_154 : memref<1x104x128xi32, #tpu.memory_space<hbm>> -> memref<104x128xi32, #tpu.memory_space<hbm>>
      %dma_wait3A_156 = arith.constant 0 : i32
      %dma_wait3A_157 = arith.constant 0 : i32
      %dma_wait3A_158 = tpu.memref_slice %arg2[%add3A, %dma_wait3A_156, %dma_wait3A_157] : memref<32x104x128xi32, #tpu.memory_space<hbm>> -> memref<1x104x128xi32, #tpu.memory_space<hbm>>
      %dma_wait3A_159 = tpu.memref_squeeze %dma_wait3A_158 : memref<1x104x128xi32, #tpu.memory_space<hbm>> -> memref<104x128xi32, #tpu.memory_space<hbm>>
      tpu.wait_dma2 semaphore(%run_scoped3A : memref<!tpu.dma_semaphore, #tpu.memory_space<semaphore_mem>>) src(%dma_wait3A_159 : memref<104x128xi32, #tpu.memory_space<hbm>>) dst(%arg5 : memref<104x128xi32, #tpu.memory_space<vmem>>)
      tpu.yield
    }) : () -> ()
    %dma_start3A = arith.constant 0 : i32
    %dma_start3A_3 = arith.constant 0 : i32
    %dma_start3A_4 = arith.constant 0 : i32
    %dma_start3A_5 = tpu.memref_slice %arg6[%dma_start3A_3, %dma_start3A_4] : memref<1664x32xf32, #tpu.memory_space<vmem>> -> memref<128x32xf32, #tpu.memory_space<vmem>>
    %dma_start3A_6 = arith.constant 0 : i32
    %dma_start3A_7 = tpu.memref_slice %arg5[%dma_start3A, %dma_start3A_6] : memref<104x128xi32, #tpu.memory_space<vmem>> -> memref<1x128xi32, #tpu.memory_space<vmem>>
    %dma_start3A_8 = tpu.memref_squeeze %dma_start3A_7 : memref<1x128xi32, #tpu.memory_space<vmem>> -> memref<128xi32, #tpu.memory_space<vmem>>
    %dma_start3A_9 = arith.constant 0 : i32
    %dma_start3A_10 = arith.constant 0 : i32
    %dma_start3A_11 = tpu.memref_slice %arg3[%dma_start3A_9, %dma_start3A_10] : memref<1000000x32xf32, #tpu.memory_space<hbm>> -> memref<1000000x32xf32, #tpu.memory_space<hbm>>
    tpu.enqueue_indirect_dma source(%dma_start3A_11 : memref<1000000x32xf32, #tpu.memory_space<hbm>>) target(%dma_start3A_5 : memref<128x32xf32, #tpu.memory_space<vmem>>) offsets(%dma_start3A_8 : memref<128xi32, #tpu.memory_space<vmem>>) semaphore(%arg8 : memref<!tpu.dma_semaphore, #tpu.memory_space<semaphore_mem>>)
    %dma_start3A_12 = arith.constant 1 : i32
    %dma_start3A_13 = arith.constant 128 : i32
    %dma_start3A_14 = arith.constant 0 : i32
    %dma_start3A_15 = tpu.memref_slice %arg6[%dma_start3A_13, %dma_start3A_14] : memref<1664x32xf32, #tpu.memory_space<vmem>> -> memref<128x32xf32, #tpu.memory_space<vmem>>
    %dma_start3A_16 = arith.constant 0 : i32
    %dma_start3A_17 = tpu.memref_slice %arg5[%dma_start3A_12, %dma_start3A_16] : memref<104x128xi32, #tpu.memory_space<vmem>> -> memref<1x128xi32, #tpu.memory_space<vmem>>
    %dma_start3A_18 = tpu.memref_squeeze %dma_start3A_17 : memref<1x128xi32, #tpu.memory_space<vmem>> -> memref<128xi32, #tpu.memory_space<vmem>>
    %dma_start3A_19 = arith.constant 0 : i32
    %dma_start3A_20 = arith.constant 0 : i32
    %dma_start3A_21 = tpu.memref_slice %arg3[%dma_start3A_19, %dma_start3A_20] : memref<1000000x32xf32, #tpu.memory_space<hbm>> -> memref<1000000x32xf32, #tpu.memory_space<hbm>>
    tpu.enqueue_indirect_dma source(%dma_start3A_21 : memref<1000000x32xf32, #tpu.memory_space<hbm>>) target(%dma_start3A_15 : memref<128x32xf32, #tpu.memory_space<vmem>>) offsets(%dma_start3A_18 : memref<128xi32, #tpu.memory_space<vmem>>) semaphore(%arg8 : memref<!tpu.dma_semaphore, #tpu.memory_space<semaphore_mem>>)
    %dma_start3A_22 = arith.constant 2 : i32
    %dma_start3A_23 = arith.constant 256 : i32
    %dma_start3A_24 = arith.constant 0 : i32
    %dma_start3A_25 = tpu.memref_slice %arg6[%dma_start3A_23, %dma_start3A_24] : memref<1664x32xf32, #tpu.memory_space<vmem>> -> memref<128x32xf32, #tpu.memory_space<vmem>>
    %dma_start3A_26 = arith.constant 0 : i32
    %dma_start3A_27 = tpu.memref_slice %arg5[%dma_start3A_22, %dma_start3A_26] : memref<104x128xi32, #tpu.memory_space<vmem>> -> memref<1x128xi32, #tpu.memory_space<vmem>>
    %dma_start3A_28 = tpu.memref_squeeze %dma_start3A_27 : memref<1x128xi32, #tpu.memory_space<vmem>> -> memref<128xi32, #tpu.memory_space<vmem>>
    %dma_start3A_29 = arith.constant 0 : i32
    %dma_start3A_30 = arith.constant 0 : i32
    %dma_start3A_31 = tpu.memref_slice %arg3[%dma_start3A_29, %dma_start3A_30] : memref<1000000x32xf32, #tpu.memory_space<hbm>> -> memref<1000000x32xf32, #tpu.memory_space<hbm>>
    tpu.enqueue_indirect_dma source(%dma_start3A_31 : memref<1000000x32xf32, #tpu.memory_space<hbm>>) target(%dma_start3A_25 : memref<128x32xf32, #tpu.memory_space<vmem>>) offsets(%dma_start3A_28 : memref<128xi32, #tpu.memory_space<vmem>>) semaphore(%arg8 : memref<!tpu.dma_semaphore, #tpu.memory_space<semaphore_mem>>)
    %dma_start3A_32 = arith.constant 3 : i32
    %dma_start3A_33 = arith.constant 384 : i32
    %dma_start3A_34 = arith.constant 0 : i32
    %dma_start3A_35 = tpu.memref_slice %arg6[%dma_start3A_33, %dma_start3A_34] : memref<1664x32xf32, #tpu.memory_space<vmem>> -> memref<128x32xf32, #tpu.memory_space<vmem>>
    %dma_start3A_36 = arith.constant 0 : i32
    %dma_start3A_37 = tpu.memref_slice %arg5[%dma_start3A_32, %dma_start3A_36] : memref<104x128xi32, #tpu.memory_space<vmem>> -> memref<1x128xi32, #tpu.memory_space<vmem>>
    %dma_start3A_38 = tpu.memref_squeeze %dma_start3A_37 : memref<1x128xi32, #tpu.memory_space<vmem>> -> memref<128xi32, #tpu.memory_space<vmem>>
    %dma_start3A_39 = arith.constant 0 : i32
    %dma_start3A_40 = arith.constant 0 : i32
    %dma_start3A_41 = tpu.memref_slice %arg3[%dma_start3A_39, %dma_start3A_40] : memref<1000000x32xf32, #tpu.memory_space<hbm>> -> memref<1000000x32xf32, #tpu.memory_space<hbm>>
    tpu.enqueue_indirect_dma source(%dma_start3A_41 : memref<1000000x32xf32, #tpu.memory_space<hbm>>) target(%dma_start3A_35 : memref<128x32xf32, #tpu.memory_space<vmem>>) offsets(%dma_start3A_38 : memref<128xi32, #tpu.memory_space<vmem>>) semaphore(%arg8 : memref<!tpu.dma_semaphore, #tpu.memory_space<semaphore_mem>>)
    %dma_start3A_42 = arith.constant 4 : i32
    %dma_start3A_43 = arith.constant 512 : i32
    %dma_start3A_44 = arith.constant 0 : i32
    %dma_start3A_45 = tpu.memref_slice %arg6[%dma_start3A_43, %dma_start3A_44] : memref<1664x32xf32, #tpu.memory_space<vmem>> -> memref<128x32xf32, #tpu.memory_space<vmem>>
    %dma_start3A_46 = arith.constant 0 : i32
    %dma_start3A_47 = tpu.memref_slice %arg5[%dma_start3A_42, %dma_start3A_46] : memref<104x128xi32, #tpu.memory_space<vmem>> -> memref<1x128xi32, #tpu.memory_space<vmem>>
    %dma_start3A_48 = tpu.memref_squeeze %dma_start3A_47 : memref<1x128xi32, #tpu.memory_space<vmem>> -> memref<128xi32, #tpu.memory_space<vmem>>
    %dma_start3A_49 = arith.constant 0 : i32
    %dma_start3A_50 = arith.constant 0 : i32
    %dma_start3A_51 = tpu.memref_slice %arg3[%dma_start3A_49, %dma_start3A_50] : memref<1000000x32xf32, #tpu.memory_space<hbm>> -> memref<1000000x32xf32, #tpu.memory_space<hbm>>
    tpu.enqueue_indirect_dma source(%dma_start3A_51 : memref<1000000x32xf32, #tpu.memory_space<hbm>>) target(%dma_start3A_45 : memref<128x32xf32, #tpu.memory_space<vmem>>) offsets(%dma_start3A_48 : memref<128xi32, #tpu.memory_space<vmem>>) semaphore(%arg8 : memref<!tpu.dma_semaphore, #tpu.memory_space<semaphore_mem>>)
    %dma_start3A_52 = arith.constant 5 : i32
    %dma_start3A_53 = arith.constant 640 : i32
    %dma_start3A_54 = arith.constant 0 : i32
    %dma_start3A_55 = tpu.memref_slice %arg6[%dma_start3A_53, %dma_start3A_54] : memref<1664x32xf32, #tpu.memory_space<vmem>> -> memref<128x32xf32, #tpu.memory_space<vmem>>
    %dma_start3A_56 = arith.constant 0 : i32
    %dma_start3A_57 = tpu.memref_slice %arg5[%dma_start3A_52, %dma_start3A_56] : memref<104x128xi32, #tpu.memory_space<vmem>> -> memref<1x128xi32, #tpu.memory_space<vmem>>
    %dma_start3A_58 = tpu.memref_squeeze %dma_start3A_57 : memref<1x128xi32, #tpu.memory_space<vmem>> -> memref<128xi32, #tpu.memory_space<vmem>>
    %dma_start3A_59 = arith.constant 0 : i32
    %dma_start3A_60 = arith.constant 0 : i32
    %dma_start3A_61 = tpu.memref_slice %arg3[%dma_start3A_59, %dma_start3A_60] : memref<1000000x32xf32, #tpu.memory_space<hbm>> -> memref<1000000x32xf32, #tpu.memory_space<hbm>>
    tpu.enqueue_indirect_dma source(%dma_start3A_61 : memref<1000000x32xf32, #tpu.memory_space<hbm>>) target(%dma_start3A_55 : memref<128x32xf32, #tpu.memory_space<vmem>>) offsets(%dma_start3A_58 : memref<128xi32, #tpu.memory_space<vmem>>) semaphore(%arg8 : memref<!tpu.dma_semaphore, #tpu.memory_space<semaphore_mem>>)
    %dma_start3A_62 = arith.constant 6 : i32
    %dma_start3A_63 = arith.constant 768 : i32
    %dma_start3A_64 = arith.constant 0 : i32
    %dma_start3A_65 = tpu.memref_slice %arg6[%dma_start3A_63, %dma_start3A_64] : memref<1664x32xf32, #tpu.memory_space<vmem>> -> memref<128x32xf32, #tpu.memory_space<vmem>>
    %dma_start3A_66 = arith.constant 0 : i32
    %dma_start3A_67 = tpu.memref_slice %arg5[%dma_start3A_62, %dma_start3A_66] : memref<104x128xi32, #tpu.memory_space<vmem>> -> memref<1x128xi32, #tpu.memory_space<vmem>>
    %dma_start3A_68 = tpu.memref_squeeze %dma_start3A_67 : memref<1x128xi32, #tpu.memory_space<vmem>> -> memref<128xi32, #tpu.memory_space<vmem>>
    %dma_start3A_69 = arith.constant 0 : i32
    %dma_start3A_70 = arith.constant 0 : i32
    %dma_start3A_71 = tpu.memref_slice %arg3[%dma_start3A_69, %dma_start3A_70] : memref<1000000x32xf32, #tpu.memory_space<hbm>> -> memref<1000000x32xf32, #tpu.memory_space<hbm>>
    tpu.enqueue_indirect_dma source(%dma_start3A_71 : memref<1000000x32xf32, #tpu.memory_space<hbm>>) target(%dma_start3A_65 : memref<128x32xf32, #tpu.memory_space<vmem>>) offsets(%dma_start3A_68 : memref<128xi32, #tpu.memory_space<vmem>>) semaphore(%arg8 : memref<!tpu.dma_semaphore, #tpu.memory_space<semaphore_mem>>)
    %dma_start3A_72 = arith.constant 7 : i32
    %dma_start3A_73 = arith.constant 896 : i32
    %dma_start3A_74 = arith.constant 0 : i32
    %dma_start3A_75 = tpu.memref_slice %arg6[%dma_start3A_73, %dma_start3A_74] : memref<1664x32xf32, #tpu.memory_space<vmem>> -> memref<128x32xf32, #tpu.memory_space<vmem>>
    %dma_start3A_76 = arith.constant 0 : i32
    %dma_start3A_77 = tpu.memref_slice %arg5[%dma_start3A_72, %dma_start3A_76] : memref<104x128xi32, #tpu.memory_space<vmem>> -> memref<1x128xi32, #tpu.memory_space<vmem>>
    %dma_start3A_78 = tpu.memref_squeeze %dma_start3A_77 : memref<1x128xi32, #tpu.memory_space<vmem>> -> memref<128xi32, #tpu.memory_space<vmem>>
    %dma_start3A_79 = arith.constant 0 : i32
    %dma_start3A_80 = arith.constant 0 : i32
    %dma_start3A_81 = tpu.memref_slice %arg3[%dma_start3A_79, %dma_start3A_80] : memref<1000000x32xf32, #tpu.memory_space<hbm>> -> memref<1000000x32xf32, #tpu.memory_space<hbm>>
    tpu.enqueue_indirect_dma source(%dma_start3A_81 : memref<1000000x32xf32, #tpu.memory_space<hbm>>) target(%dma_start3A_75 : memref<128x32xf32, #tpu.memory_space<vmem>>) offsets(%dma_start3A_78 : memref<128xi32, #tpu.memory_space<vmem>>) semaphore(%arg8 : memref<!tpu.dma_semaphore, #tpu.memory_space<semaphore_mem>>)
    %dma_start3A_82 = arith.constant 8 : i32
    %dma_start3A_83 = arith.constant 1024 : i32
    %dma_start3A_84 = arith.constant 0 : i32
    %dma_start3A_85 = tpu.memref_slice %arg6[%dma_start3A_83, %dma_start3A_84] : memref<1664x32xf32, #tpu.memory_space<vmem>> -> memref<128x32xf32, #tpu.memory_space<vmem>>
    %dma_start3A_86 = arith.constant 0 : i32
    %dma_start3A_87 = tpu.memref_slice %arg5[%dma_start3A_82, %dma_start3A_86] : memref<104x128xi32, #tpu.memory_space<vmem>> -> memref<1x128xi32, #tpu.memory_space<vmem>>
    %dma_start3A_88 = tpu.memref_squeeze %dma_start3A_87 : memref<1x128xi32, #tpu.memory_space<vmem>> -> memref<128xi32, #tpu.memory_space<vmem>>
    %dma_start3A_89 = arith.constant 0 : i32
    %dma_start3A_90 = arith.constant 0 : i32
    %dma_start3A_91 = tpu.memref_slice %arg3[%dma_start3A_89, %dma_start3A_90] : memref<1000000x32xf32, #tpu.memory_space<hbm>> -> memref<1000000x32xf32, #tpu.memory_space<hbm>>
    tpu.enqueue_indirect_dma source(%dma_start3A_91 : memref<1000000x32xf32, #tpu.memory_space<hbm>>) target(%dma_start3A_85 : memref<128x32xf32, #tpu.memory_space<vmem>>) offsets(%dma_start3A_88 : memref<128xi32, #tpu.memory_space<vmem>>) semaphore(%arg8 : memref<!tpu.dma_semaphore, #tpu.memory_space<semaphore_mem>>)
    %dma_start3A_92 = arith.constant 9 : i32
    %dma_start3A_93 = arith.constant 1152 : i32
    %dma_start3A_94 = arith.constant 0 : i32
    %dma_start3A_95 = tpu.memref_slice %arg6[%dma_start3A_93, %dma_start3A_94] : memref<1664x32xf32, #tpu.memory_space<vmem>> -> memref<128x32xf32, #tpu.memory_space<vmem>>
    %dma_start3A_96 = arith.constant 0 : i32
    %dma_start3A_97 = tpu.memref_slice %arg5[%dma_start3A_92, %dma_start3A_96] : memref<104x128xi32, #tpu.memory_space<vmem>> -> memref<1x128xi32, #tpu.memory_space<vmem>>
    %dma_start3A_98 = tpu.memref_squeeze %dma_start3A_97 : memref<1x128xi32, #tpu.memory_space<vmem>> -> memref<128xi32, #tpu.memory_space<vmem>>
    %dma_start3A_99 = arith.constant 0 : i32
    %dma_start3A_100 = arith.constant 0 : i32
    %dma_start3A_101 = tpu.memref_slice %arg3[%dma_start3A_99, %dma_start3A_100] : memref<1000000x32xf32, #tpu.memory_space<hbm>> -> memref<1000000x32xf32, #tpu.memory_space<hbm>>
    tpu.enqueue_indirect_dma source(%dma_start3A_101 : memref<1000000x32xf32, #tpu.memory_space<hbm>>) target(%dma_start3A_95 : memref<128x32xf32, #tpu.memory_space<vmem>>) offsets(%dma_start3A_98 : memref<128xi32, #tpu.memory_space<vmem>>) semaphore(%arg8 : memref<!tpu.dma_semaphore, #tpu.memory_space<semaphore_mem>>)
    %dma_start3A_102 = arith.constant 10 : i32
    %dma_start3A_103 = arith.constant 1280 : i32
    %dma_start3A_104 = arith.constant 0 : i32
    %dma_start3A_105 = tpu.memref_slice %arg6[%dma_start3A_103, %dma_start3A_104] : memref<1664x32xf32, #tpu.memory_space<vmem>> -> memref<128x32xf32, #tpu.memory_space<vmem>>
    %dma_start3A_106 = arith.constant 0 : i32
    %dma_start3A_107 = tpu.memref_slice %arg5[%dma_start3A_102, %dma_start3A_106] : memref<104x128xi32, #tpu.memory_space<vmem>> -> memref<1x128xi32, #tpu.memory_space<vmem>>
    %dma_start3A_108 = tpu.memref_squeeze %dma_start3A_107 : memref<1x128xi32, #tpu.memory_space<vmem>> -> memref<128xi32, #tpu.memory_space<vmem>>
    %dma_start3A_109 = arith.constant 0 : i32
    %dma_start3A_110 = arith.constant 0 : i32
    %dma_start3A_111 = tpu.memref_slice %arg3[%dma_start3A_109, %dma_start3A_110] : memref<1000000x32xf32, #tpu.memory_space<hbm>> -> memref<1000000x32xf32, #tpu.memory_space<hbm>>
    tpu.enqueue_indirect_dma source(%dma_start3A_111 : memref<1000000x32xf32, #tpu.memory_space<hbm>>) target(%dma_start3A_105 : memref<128x32xf32, #tpu.memory_space<vmem>>) offsets(%dma_start3A_108 : memref<128xi32, #tpu.memory_space<vmem>>) semaphore(%arg8 : memref<!tpu.dma_semaphore, #tpu.memory_space<semaphore_mem>>)
    %dma_start3A_112 = arith.constant 11 : i32
    %dma_start3A_113 = arith.constant 1408 : i32
    %dma_start3A_114 = arith.constant 0 : i32
    %dma_start3A_115 = tpu.memref_slice %arg6[%dma_start3A_113, %dma_start3A_114] : memref<1664x32xf32, #tpu.memory_space<vmem>> -> memref<128x32xf32, #tpu.memory_space<vmem>>
    %dma_start3A_116 = arith.constant 0 : i32
    %dma_start3A_117 = tpu.memref_slice %arg5[%dma_start3A_112, %dma_start3A_116] : memref<104x128xi32, #tpu.memory_space<vmem>> -> memref<1x128xi32, #tpu.memory_space<vmem>>
    %dma_start3A_118 = tpu.memref_squeeze %dma_start3A_117 : memref<1x128xi32, #tpu.memory_space<vmem>> -> memref<128xi32, #tpu.memory_space<vmem>>
    %dma_start3A_119 = arith.constant 0 : i32
    %dma_start3A_120 = arith.constant 0 : i32
    %dma_start3A_121 = tpu.memref_slice %arg3[%dma_start3A_119, %dma_start3A_120] : memref<1000000x32xf32, #tpu.memory_space<hbm>> -> memref<1000000x32xf32, #tpu.memory_space<hbm>>
    tpu.enqueue_indirect_dma source(%dma_start3A_121 : memref<1000000x32xf32, #tpu.memory_space<hbm>>) target(%dma_start3A_115 : memref<128x32xf32, #tpu.memory_space<vmem>>) offsets(%dma_start3A_118 : memref<128xi32, #tpu.memory_space<vmem>>) semaphore(%arg8 : memref<!tpu.dma_semaphore, #tpu.memory_space<semaphore_mem>>)
    %dma_start3A_122 = arith.constant 12 : i32
    %dma_start3A_123 = arith.constant 1536 : i32
    %dma_start3A_124 = arith.constant 0 : i32
    %dma_start3A_125 = tpu.memref_slice %arg6[%dma_start3A_123, %dma_start3A_124] : memref<1664x32xf32, #tpu.memory_space<vmem>> -> memref<128x32xf32, #tpu.memory_space<vmem>>
    %dma_start3A_126 = arith.constant 0 : i32
    %dma_start3A_127 = tpu.memref_slice %arg5[%dma_start3A_122, %dma_start3A_126] : memref<104x128xi32, #tpu.memory_space<vmem>> -> memref<1x128xi32, #tpu.memory_space<vmem>>
    %dma_start3A_128 = tpu.memref_squeeze %dma_start3A_127 : memref<1x128xi32, #tpu.memory_space<vmem>> -> memref<128xi32, #tpu.memory_space<vmem>>
    %dma_start3A_129 = arith.constant 0 : i32
    %dma_start3A_130 = arith.constant 0 : i32
    %dma_start3A_131 = tpu.memref_slice %arg3[%dma_start3A_129, %dma_start3A_130] : memref<1000000x32xf32, #tpu.memory_space<hbm>> -> memref<1000000x32xf32, #tpu.memory_space<hbm>>
    tpu.enqueue_indirect_dma source(%dma_start3A_131 : memref<1000000x32xf32, #tpu.memory_space<hbm>>) target(%dma_start3A_125 : memref<128x32xf32, #tpu.memory_space<vmem>>) offsets(%dma_start3A_128 : memref<128xi32, #tpu.memory_space<vmem>>) semaphore(%arg8 : memref<!tpu.dma_semaphore, #tpu.memory_space<semaphore_mem>>)
    %scan3A = arith.constant 0 : i32
    %scan3A_132 = arith.constant 0 : i32
    %scan3A_133 = arith.constant 8 : i32
    %scan3A_134 = arith.addi %scan3A_132, %scan3A_133 : i32
    %scan3A_135 = arith.constant 1 : i32
    scf.for %scan3A_144 = %scan3A_132 to %scan3A_134 step %scan3A_135  : i32 {
      %jit3A = arith.constant 2 : i32
      %eq3A = arith.constant 0 : i32
      %eq3A_145 = arith.cmpi eq, %jit3A, %eq3A : i32
      %jit3A_146 = arith.constant 1 : i32
      %select_n3A = arith.select %eq3A_145, %jit3A_146, %jit3A : i32
      %rem3A = arith.remsi %scan3A_144, %select_n3A : i32
      %ne3A = arith.constant 0 : i32
      %ne3A_147 = arith.cmpi ne, %rem3A, %ne3A : i32
      %lt3A = arith.constant 0 : i32
      %lt3A_148 = arith.cmpi slt, %rem3A, %lt3A : i32
      %lt3A_149 = arith.constant 0 : i32
      %lt3A_150 = arith.cmpi slt, %select_n3A, %lt3A_149 : i32
      %ne3A_151 = arith.xori %lt3A_148, %lt3A_150 : i1
      %and3A = arith.andi %ne3A_151, %ne3A_147 : i1
      %add3A_152 = arith.addi %rem3A, %select_n3A : i32
      %select_n3A_153 = arith.select %and3A, %add3A_152, %rem3A : i32
      %eq3A_154 = arith.constant 0 : i32
      %eq3A_155 = arith.cmpi eq, %select_n3A_153, %eq3A_154 : i32
      %convert_element_type3A = arith.extui %eq3A_155 : i1 to i32
      %cond3A = arith.constant 0 : i32
      %cond3A_156 = arith.cmpi ne, %convert_element_type3A, %cond3A : i32
      scf.if %cond3A_156 {
        %dma_wait3A_162 = arith.constant 0 : i32
        %dma_wait3A_163 = arith.constant 0 : i32
        %dma_wait3A_164 = tpu.memref_slice %arg3[%dma_wait3A_162, %dma_wait3A_163] : memref<1000000x32xf32, #tpu.memory_space<hbm>> -> memref<1664x32xf32, #tpu.memory_space<hbm>>
        %dma_wait3A_165 = arith.constant 0 : i32
        %dma_wait3A_166 = arith.constant 0 : i32
        %dma_wait3A_167 = tpu.memref_slice %arg3[%dma_wait3A_165, %dma_wait3A_166] : memref<1000000x32xf32, #tpu.memory_space<hbm>> -> memref<1664x32xf32, #tpu.memory_space<hbm>>
        tpu.wait_dma2 semaphore(%arg8 : memref<!tpu.dma_semaphore, #tpu.memory_space<semaphore_mem>>) src(%dma_wait3A_167 : memref<1664x32xf32, #tpu.memory_space<hbm>>) dst(%arg6 : memref<1664x32xf32, #tpu.memory_space<vmem>>)
        %mul3A_168 = arith.constant 1664 : i32
        %mul3A_169 = arith.muli %scan3A_144, %mul3A_168 : i32
        %add3A_170 = arith.addi %mul3A_2, %mul3A_169 : i32
        %dma_start3A_171 = arith.constant 0 : i32
        %dma_start3A_172 = tpu.memref_slice %arg4[%add3A_170, %dma_start3A_171] : memref<425984x32xf32, #tpu.memory_space<hbm>> -> memref<1664x32xf32, #tpu.memory_space<hbm>>
        %dma_start3A_173 = arith.constant 0 : i32
        %dma_start3A_174 = tpu.memref_slice %arg4[%add3A_170, %dma_start3A_173] : memref<425984x32xf32, #tpu.memory_space<hbm>> -> memref<1664x32xf32, #tpu.memory_space<hbm>>
        tpu.enqueue_dma source(%arg6 : memref<1664x32xf32, #tpu.memory_space<vmem>>) target(%dma_start3A_174 : memref<1664x32xf32, #tpu.memory_space<hbm>>) target_semaphore(%arg10 : memref<!tpu.dma_semaphore, #tpu.memory_space<semaphore_mem>>)
        %add3A_175 = arith.constant 1 : i32
        %add3A_176 = arith.addi %scan3A_144, %add3A_175 : i32
        %lt3A_177 = arith.constant 8 : i32
        %lt3A_178 = arith.cmpi slt, %add3A_176, %lt3A_177 : i32
        %convert_element_type3A_179 = arith.extui %lt3A_178 : i1 to i32
        %cond3A_180 = arith.constant 0 : i32
        %cond3A_181 = arith.cmpi ne, %convert_element_type3A_179, %cond3A_180 : i32
        scf.if %cond3A_181 {
          %ge3A = arith.constant 1 : i32
          %ge3A_182 = arith.cmpi sge, %scan3A_144, %ge3A : i32
          %convert_element_type3A_183 = arith.extui %ge3A_182 : i1 to i32
          %cond3A_184 = arith.constant 0 : i32
          %cond3A_185 = arith.cmpi ne, %convert_element_type3A_183, %cond3A_184 : i32
          scf.if %cond3A_185 {
            %dma_wait3A_357 = arith.constant 0 : i32
            %dma_wait3A_358 = tpu.memref_slice %arg4[%mul3A_2, %dma_wait3A_357] : memref<425984x32xf32, #tpu.memory_space<hbm>> -> memref<1664x32xf32, #tpu.memory_space<hbm>>
            %dma_wait3A_359 = arith.constant 0 : i32
            %dma_wait3A_360 = tpu.memref_slice %arg4[%mul3A_2, %dma_wait3A_359] : memref<425984x32xf32, #tpu.memory_space<hbm>> -> memref<1664x32xf32, #tpu.memory_space<hbm>>
            tpu.wait_dma2 semaphore(%arg11 : memref<!tpu.dma_semaphore, #tpu.memory_space<semaphore_mem>>) src(%arg7 : memref<1664x32xf32, #tpu.memory_space<vmem>>) dst(%dma_wait3A_360 : memref<1664x32xf32, #tpu.memory_space<hbm>>)
          } else {
          }
          %add3A_186 = arith.constant 1 : i32
          %add3A_187 = arith.addi %scan3A_144, %add3A_186 : i32
          %mul3A_188 = arith.constant 13 : i32
          %mul3A_189 = arith.muli %add3A_187, %mul3A_188 : i32
          %add3A_190 = arith.constant 0 : i32
          %add3A_191 = arith.addi %mul3A_189, %add3A_190 : i32
          %dma_start3A_192 = arith.constant 0 : i32
          %dma_start3A_193 = arith.constant 0 : i32
          %dma_start3A_194 = tpu.memref_slice %arg7[%dma_start3A_192, %dma_start3A_193] : memref<1664x32xf32, #tpu.memory_space<vmem>> -> memref<128x32xf32, #tpu.memory_space<vmem>>
          %dma_start3A_195 = arith.constant 0 : i32
          %dma_start3A_196 = tpu.memref_slice %arg5[%add3A_191, %dma_start3A_195] : memref<104x128xi32, #tpu.memory_space<vmem>> -> memref<1x128xi32, #tpu.memory_space<vmem>>
          %dma_start3A_197 = tpu.memref_squeeze %dma_start3A_196 : memref<1x128xi32, #tpu.memory_space<vmem>> -> memref<128xi32, #tpu.memory_space<vmem>>
          %dma_start3A_198 = arith.constant 0 : i32
          %dma_start3A_199 = arith.constant 0 : i32
          %dma_start3A_200 = tpu.memref_slice %arg3[%dma_start3A_198, %dma_start3A_199] : memref<1000000x32xf32, #tpu.memory_space<hbm>> -> memref<1000000x32xf32, #tpu.memory_space<hbm>>
          tpu.enqueue_indirect_dma source(%dma_start3A_200 : memref<1000000x32xf32, #tpu.memory_space<hbm>>) target(%dma_start3A_194 : memref<128x32xf32, #tpu.memory_space<vmem>>) offsets(%dma_start3A_197 : memref<128xi32, #tpu.memory_space<vmem>>) semaphore(%arg9 : memref<!tpu.dma_semaphore, #tpu.memory_space<semaphore_mem>>)
          %mul3A_201 = arith.constant 13 : i32
          %mul3A_202 = arith.muli %add3A_187, %mul3A_201 : i32
          %add3A_203 = arith.constant 1 : i32
          %add3A_204 = arith.addi %mul3A_202, %add3A_203 : i32
          %dma_start3A_205 = arith.constant 128 : i32
          %dma_start3A_206 = arith.constant 0 : i32
          %dma_start3A_207 = tpu.memref_slice %arg7[%dma_start3A_205, %dma_start3A_206] : memref<1664x32xf32, #tpu.memory_space<vmem>> -> memref<128x32xf32, #tpu.memory_space<vmem>>
          %dma_start3A_208 = arith.constant 0 : i32
          %dma_start3A_209 = tpu.memref_slice %arg5[%add3A_204, %dma_start3A_208] : memref<104x128xi32, #tpu.memory_space<vmem>> -> memref<1x128xi32, #tpu.memory_space<vmem>>
          %dma_start3A_210 = tpu.memref_squeeze %dma_start3A_209 : memref<1x128xi32, #tpu.memory_space<vmem>> -> memref<128xi32, #tpu.memory_space<vmem>>
          %dma_start3A_211 = arith.constant 0 : i32
          %dma_start3A_212 = arith.constant 0 : i32
          %dma_start3A_213 = tpu.memref_slice %arg3[%dma_start3A_211, %dma_start3A_212] : memref<1000000x32xf32, #tpu.memory_space<hbm>> -> memref<1000000x32xf32, #tpu.memory_space<hbm>>
          tpu.enqueue_indirect_dma source(%dma_start3A_213 : memref<1000000x32xf32, #tpu.memory_space<hbm>>) target(%dma_start3A_207 : memref<128x32xf32, #tpu.memory_space<vmem>>) offsets(%dma_start3A_210 : memref<128xi32, #tpu.memory_space<vmem>>) semaphore(%arg9 : memref<!tpu.dma_semaphore, #tpu.memory_space<semaphore_mem>>)
          %mul3A_214 = arith.constant 13 : i32
          %mul3A_215 = arith.muli %add3A_187, %mul3A_214 : i32
          %add3A_216 = arith.constant 2 : i32
          %add3A_217 = arith.addi %mul3A_215, %add3A_216 : i32
          %dma_start3A_218 = arith.constant 256 : i32
          %dma_start3A_219 = arith.constant 0 : i32
          %dma_start3A_220 = tpu.memref_slice %arg7[%dma_start3A_218, %dma_start3A_219] : memref<1664x32xf32, #tpu.memory_space<vmem>> -> memref<128x32xf32, #tpu.memory_space<vmem>>
          %dma_start3A_221 = arith.constant 0 : i32
          %dma_start3A_222 = tpu.memref_slice %arg5[%add3A_217, %dma_start3A_221] : memref<104x128xi32, #tpu.memory_space<vmem>> -> memref<1x128xi32, #tpu.memory_space<vmem>>
          %dma_start3A_223 = tpu.memref_squeeze %dma_start3A_222 : memref<1x128xi32, #tpu.memory_space<vmem>> -> memref<128xi32, #tpu.memory_space<vmem>>
          %dma_start3A_224 = arith.constant 0 : i32
          %dma_start3A_225 = arith.constant 0 : i32
          %dma_start3A_226 = tpu.memref_slice %arg3[%dma_start3A_224, %dma_start3A_225] : memref<1000000x32xf32, #tpu.memory_space<hbm>> -> memref<1000000x32xf32, #tpu.memory_space<hbm>>
          tpu.enqueue_indirect_dma source(%dma_start3A_226 : memref<1000000x32xf32, #tpu.memory_space<hbm>>) target(%dma_start3A_220 : memref<128x32xf32, #tpu.memory_space<vmem>>) offsets(%dma_start3A_223 : memref<128xi32, #tpu.memory_space<vmem>>) semaphore(%arg9 : memref<!tpu.dma_semaphore, #tpu.memory_space<semaphore_mem>>)
          %mul3A_227 = arith.constant 13 : i32
          %mul3A_228 = arith.muli %add3A_187, %mul3A_227 : i32
          %add3A_229 = arith.constant 3 : i32
          %add3A_230 = arith.addi %mul3A_228, %add3A_229 : i32
          %dma_start3A_231 = arith.constant 384 : i32
          %dma_start3A_232 = arith.constant 0 : i32
          %dma_start3A_233 = tpu.memref_slice %arg7[%dma_start3A_231, %dma_start3A_232] : memref<1664x32xf32, #tpu.memory_space<vmem>> -> memref<128x32xf32, #tpu.memory_space<vmem>>
          %dma_start3A_234 = arith.constant 0 : i32
          %dma_start3A_235 = tpu.memref_slice %arg5[%add3A_230, %dma_start3A_234] : memref<104x128xi32, #tpu.memory_space<vmem>> -> memref<1x128xi32, #tpu.memory_space<vmem>>
          %dma_start3A_236 = tpu.memref_squeeze %dma_start3A_235 : memref<1x128xi32, #tpu.memory_space<vmem>> -> memref<128xi32, #tpu.memory_space<vmem>>
          %dma_start3A_237 = arith.constant 0 : i32
          %dma_start3A_238 = arith.constant 0 : i32
          %dma_start3A_239 = tpu.memref_slice %arg3[%dma_start3A_237, %dma_start3A_238] : memref<1000000x32xf32, #tpu.memory_space<hbm>> -> memref<1000000x32xf32, #tpu.memory_space<hbm>>
          tpu.enqueue_indirect_dma source(%dma_start3A_239 : memref<1000000x32xf32, #tpu.memory_space<hbm>>) target(%dma_start3A_233 : memref<128x32xf32, #tpu.memory_space<vmem>>) offsets(%dma_start3A_236 : memref<128xi32, #tpu.memory_space<vmem>>) semaphore(%arg9 : memref<!tpu.dma_semaphore, #tpu.memory_space<semaphore_mem>>)
          %mul3A_240 = arith.constant 13 : i32
          %mul3A_241 = arith.muli %add3A_187, %mul3A_240 : i32
          %add3A_242 = arith.constant 4 : i32
          %add3A_243 = arith.addi %mul3A_241, %add3A_242 : i32
          %dma_start3A_244 = arith.constant 512 : i32
          %dma_start3A_245 = arith.constant 0 : i32
          %dma_start3A_246 = tpu.memref_slice %arg7[%dma_start3A_244, %dma_start3A_245] : memref<1664x32xf32, #tpu.memory_space<vmem>> -> memref<128x32xf32, #tpu.memory_space<vmem>>
          %dma_start3A_247 = arith.constant 0 : i32
          %dma_start3A_248 = tpu.memref_slice %arg5[%add3A_243, %dma_start3A_247] : memref<104x128xi32, #tpu.memory_space<vmem>> -> memref<1x128xi32, #tpu.memory_space<vmem>>
          %dma_start3A_249 = tpu.memref_squeeze %dma_start3A_248 : memref<1x128xi32, #tpu.memory_space<vmem>> -> memref<128xi32, #tpu.memory_space<vmem>>
          %dma_start3A_250 = arith.constant 0 : i32
          %dma_start3A_251 = arith.constant 0 : i32
          %dma_start3A_252 = tpu.memref_slice %arg3[%dma_start3A_250, %dma_start3A_251] : memref<1000000x32xf32, #tpu.memory_space<hbm>> -> memref<1000000x32xf32, #tpu.memory_space<hbm>>
          tpu.enqueue_indirect_dma source(%dma_start3A_252 : memref<1000000x32xf32, #tpu.memory_space<hbm>>) target(%dma_start3A_246 : memref<128x32xf32, #tpu.memory_space<vmem>>) offsets(%dma_start3A_249 : memref<128xi32, #tpu.memory_space<vmem>>) semaphore(%arg9 : memref<!tpu.dma_semaphore, #tpu.memory_space<semaphore_mem>>)
          %mul3A_253 = arith.constant 13 : i32
          %mul3A_254 = arith.muli %add3A_187, %mul3A_253 : i32
          %add3A_255 = arith.constant 5 : i32
          %add3A_256 = arith.addi %mul3A_254, %add3A_255 : i32
          %dma_start3A_257 = arith.constant 640 : i32
          %dma_start3A_258 = arith.constant 0 : i32
          %dma_start3A_259 = tpu.memref_slice %arg7[%dma_start3A_257, %dma_start3A_258] : memref<1664x32xf32, #tpu.memory_space<vmem>> -> memref<128x32xf32, #tpu.memory_space<vmem>>
          %dma_start3A_260 = arith.constant 0 : i32
          %dma_start3A_261 = tpu.memref_slice %arg5[%add3A_256, %dma_start3A_260] : memref<104x128xi32, #tpu.memory_space<vmem>> -> memref<1x128xi32, #tpu.memory_space<vmem>>
          %dma_start3A_262 = tpu.memref_squeeze %dma_start3A_261 : memref<1x128xi32, #tpu.memory_space<vmem>> -> memref<128xi32, #tpu.memory_space<vmem>>
          %dma_start3A_263 = arith.constant 0 : i32
          %dma_start3A_264 = arith.constant 0 : i32
          %dma_start3A_265 = tpu.memref_slice %arg3[%dma_start3A_263, %dma_start3A_264] : memref<1000000x32xf32, #tpu.memory_space<hbm>> -> memref<1000000x32xf32, #tpu.memory_space<hbm>>
          tpu.enqueue_indirect_dma source(%dma_start3A_265 : memref<1000000x32xf32, #tpu.memory_space<hbm>>) target(%dma_start3A_259 : memref<128x32xf32, #tpu.memory_space<vmem>>) offsets(%dma_start3A_262 : memref<128xi32, #tpu.memory_space<vmem>>) semaphore(%arg9 : memref<!tpu.dma_semaphore, #tpu.memory_space<semaphore_mem>>)
          %mul3A_266 = arith.constant 13 : i32
          %mul3A_267 = arith.muli %add3A_187, %mul3A_266 : i32
          %add3A_268 = arith.constant 6 : i32
          %add3A_269 = arith.addi %mul3A_267, %add3A_268 : i32
          %dma_start3A_270 = arith.constant 768 : i32
          %dma_start3A_271 = arith.constant 0 : i32
          %dma_start3A_272 = tpu.memref_slice %arg7[%dma_start3A_270, %dma_start3A_271] : memref<1664x32xf32, #tpu.memory_space<vmem>> -> memref<128x32xf32, #tpu.memory_space<vmem>>
          %dma_start3A_273 = arith.constant 0 : i32
          %dma_start3A_274 = tpu.memref_slice %arg5[%add3A_269, %dma_start3A_273] : memref<104x128xi32, #tpu.memory_space<vmem>> -> memref<1x128xi32, #tpu.memory_space<vmem>>
          %dma_start3A_275 = tpu.memref_squeeze %dma_start3A_274 : memref<1x128xi32, #tpu.memory_space<vmem>> -> memref<128xi32, #tpu.memory_space<vmem>>
          %dma_start3A_276 = arith.constant 0 : i32
          %dma_start3A_277 = arith.constant 0 : i32
          %dma_start3A_278 = tpu.memref_slice %arg3[%dma_start3A_276, %dma_start3A_277] : memref<1000000x32xf32, #tpu.memory_space<hbm>> -> memref<1000000x32xf32, #tpu.memory_space<hbm>>
          tpu.enqueue_indirect_dma source(%dma_start3A_278 : memref<1000000x32xf32, #tpu.memory_space<hbm>>) target(%dma_start3A_272 : memref<128x32xf32, #tpu.memory_space<vmem>>) offsets(%dma_start3A_275 : memref<128xi32, #tpu.memory_space<vmem>>) semaphore(%arg9 : memref<!tpu.dma_semaphore, #tpu.memory_space<semaphore_mem>>)
          %mul3A_279 = arith.constant 13 : i32
          %mul3A_280 = arith.muli %add3A_187, %mul3A_279 : i32
          %add3A_281 = arith.constant 7 : i32
          %add3A_282 = arith.addi %mul3A_280, %add3A_281 : i32
          %dma_start3A_283 = arith.constant 896 : i32
          %dma_start3A_284 = arith.constant 0 : i32
          %dma_start3A_285 = tpu.memref_slice %arg7[%dma_start3A_283, %dma_start3A_284] : memref<1664x32xf32, #tpu.memory_space<vmem>> -> memref<128x32xf32, #tpu.memory_space<vmem>>
          %dma_start3A_286 = arith.constant 0 : i32
          %dma_start3A_287 = tpu.memref_slice %arg5[%add3A_282, %dma_start3A_286] : memref<104x128xi32, #tpu.memory_space<vmem>> -> memref<1x128xi32, #tpu.memory_space<vmem>>
          %dma_start3A_288 = tpu.memref_squeeze %dma_start3A_287 : memref<1x128xi32, #tpu.memory_space<vmem>> -> memref<128xi32, #tpu.memory_space<vmem>>
          %dma_start3A_289 = arith.constant 0 : i32
          %dma_start3A_290 = arith.constant 0 : i32
          %dma_start3A_291 = tpu.memref_slice %arg3[%dma_start3A_289, %dma_start3A_290] : memref<1000000x32xf32, #tpu.memory_space<hbm>> -> memref<1000000x32xf32, #tpu.memory_space<hbm>>
          tpu.enqueue_indirect_dma source(%dma_start3A_291 : memref<1000000x32xf32, #tpu.memory_space<hbm>>) target(%dma_start3A_285 : memref<128x32xf32, #tpu.memory_space<vmem>>) offsets(%dma_start3A_288 : memref<128xi32, #tpu.memory_space<vmem>>) semaphore(%arg9 : memref<!tpu.dma_semaphore, #tpu.memory_space<semaphore_mem>>)
          %mul3A_292 = arith.constant 13 : i32
          %mul3A_293 = arith.muli %add3A_187, %mul3A_292 : i32
          %add3A_294 = arith.constant 8 : i32
          %add3A_295 = arith.addi %mul3A_293, %add3A_294 : i32
          %dma_start3A_296 = arith.constant 1024 : i32
          %dma_start3A_297 = arith.constant 0 : i32
          %dma_start3A_298 = tpu.memref_slice %arg7[%dma_start3A_296, %dma_start3A_297] : memref<1664x32xf32, #tpu.memory_space<vmem>> -> memref<128x32xf32, #tpu.memory_space<vmem>>
          %dma_start3A_299 = arith.constant 0 : i32
          %dma_start3A_300 = tpu.memref_slice %arg5[%add3A_295, %dma_start3A_299] : memref<104x128xi32, #tpu.memory_space<vmem>> -> memref<1x128xi32, #tpu.memory_space<vmem>>
          %dma_start3A_301 = tpu.memref_squeeze %dma_start3A_300 : memref<1x128xi32, #tpu.memory_space<vmem>> -> memref<128xi32, #tpu.memory_space<vmem>>
          %dma_start3A_302 = arith.constant 0 : i32
          %dma_start3A_303 = arith.constant 0 : i32
          %dma_start3A_304 = tpu.memref_slice %arg3[%dma_start3A_302, %dma_start3A_303] : memref<1000000x32xf32, #tpu.memory_space<hbm>> -> memref<1000000x32xf32, #tpu.memory_space<hbm>>
          tpu.enqueue_indirect_dma source(%dma_start3A_304 : memref<1000000x32xf32, #tpu.memory_space<hbm>>) target(%dma_start3A_298 : memref<128x32xf32, #tpu.memory_space<vmem>>) offsets(%dma_start3A_301 : memref<128xi32, #tpu.memory_space<vmem>>) semaphore(%arg9 : memref<!tpu.dma_semaphore, #tpu.memory_space<semaphore_mem>>)
          %mul3A_305 = arith.constant 13 : i32
          %mul3A_306 = arith.muli %add3A_187, %mul3A_305 : i32
          %add3A_307 = arith.constant 9 : i32
          %add3A_308 = arith.addi %mul3A_306, %add3A_307 : i32
          %dma_start3A_309 = arith.constant 1152 : i32
          %dma_start3A_310 = arith.constant 0 : i32
          %dma_start3A_311 = tpu.memref_slice %arg7[%dma_start3A_309, %dma_start3A_310] : memref<1664x32xf32, #tpu.memory_space<vmem>> -> memref<128x32xf32, #tpu.memory_space<vmem>>
          %dma_start3A_312 = arith.constant 0 : i32
          %dma_start3A_313 = tpu.memref_slice %arg5[%add3A_308, %dma_start3A_312] : memref<104x128xi32, #tpu.memory_space<vmem>> -> memref<1x128xi32, #tpu.memory_space<vmem>>
          %dma_start3A_314 = tpu.memref_squeeze %dma_start3A_313 : memref<1x128xi32, #tpu.memory_space<vmem>> -> memref<128xi32, #tpu.memory_space<vmem>>
          %dma_start3A_315 = arith.constant 0 : i32
          %dma_start3A_316 = arith.constant 0 : i32
          %dma_start3A_317 = tpu.memref_slice %arg3[%dma_start3A_315, %dma_start3A_316] : memref<1000000x32xf32, #tpu.memory_space<hbm>> -> memref<1000000x32xf32, #tpu.memory_space<hbm>>
          tpu.enqueue_indirect_dma source(%dma_start3A_317 : memref<1000000x32xf32, #tpu.memory_space<hbm>>) target(%dma_start3A_311 : memref<128x32xf32, #tpu.memory_space<vmem>>) offsets(%dma_start3A_314 : memref<128xi32, #tpu.memory_space<vmem>>) semaphore(%arg9 : memref<!tpu.dma_semaphore, #tpu.memory_space<semaphore_mem>>)
          %mul3A_318 = arith.constant 13 : i32
          %mul3A_319 = arith.muli %add3A_187, %mul3A_318 : i32
          %add3A_320 = arith.constant 10 : i32
          %add3A_321 = arith.addi %mul3A_319, %add3A_320 : i32
          %dma_start3A_322 = arith.constant 1280 : i32
          %dma_start3A_323 = arith.constant 0 : i32
          %dma_start3A_324 = tpu.memref_slice %arg7[%dma_start3A_322, %dma_start3A_323] : memref<1664x32xf32, #tpu.memory_space<vmem>> -> memref<128x32xf32, #tpu.memory_space<vmem>>
          %dma_start3A_325 = arith.constant 0 : i32
          %dma_start3A_326 = tpu.memref_slice %arg5[%add3A_321, %dma_start3A_325] : memref<104x128xi32, #tpu.memory_space<vmem>> -> memref<1x128xi32, #tpu.memory_space<vmem>>
          %dma_start3A_327 = tpu.memref_squeeze %dma_start3A_326 : memref<1x128xi32, #tpu.memory_space<vmem>> -> memref<128xi32, #tpu.memory_space<vmem>>
          %dma_start3A_328 = arith.constant 0 : i32
          %dma_start3A_329 = arith.constant 0 : i32
          %dma_start3A_330 = tpu.memref_slice %arg3[%dma_start3A_328, %dma_start3A_329] : memref<1000000x32xf32, #tpu.memory_space<hbm>> -> memref<1000000x32xf32, #tpu.memory_space<hbm>>
          tpu.enqueue_indirect_dma source(%dma_start3A_330 : memref<1000000x32xf32, #tpu.memory_space<hbm>>) target(%dma_start3A_324 : memref<128x32xf32, #tpu.memory_space<vmem>>) offsets(%dma_start3A_327 : memref<128xi32, #tpu.memory_space<vmem>>) semaphore(%arg9 : memref<!tpu.dma_semaphore, #tpu.memory_space<semaphore_mem>>)
          %mul3A_331 = arith.constant 13 : i32
          %mul3A_332 = arith.muli %add3A_187, %mul3A_331 : i32
          %add3A_333 = arith.constant 11 : i32
          %add3A_334 = arith.addi %mul3A_332, %add3A_333 : i32
          %dma_start3A_335 = arith.constant 1408 : i32
          %dma_start3A_336 = arith.constant 0 : i32
          %dma_start3A_337 = tpu.memref_slice %arg7[%dma_start3A_335, %dma_start3A_336] : memref<1664x32xf32, #tpu.memory_space<vmem>> -> memref<128x32xf32, #tpu.memory_space<vmem>>
          %dma_start3A_338 = arith.constant 0 : i32
          %dma_start3A_339 = tpu.memref_slice %arg5[%add3A_334, %dma_start3A_338] : memref<104x128xi32, #tpu.memory_space<vmem>> -> memref<1x128xi32, #tpu.memory_space<vmem>>
          %dma_start3A_340 = tpu.memref_squeeze %dma_start3A_339 : memref<1x128xi32, #tpu.memory_space<vmem>> -> memref<128xi32, #tpu.memory_space<vmem>>
          %dma_start3A_341 = arith.constant 0 : i32
          %dma_start3A_342 = arith.constant 0 : i32
          %dma_start3A_343 = tpu.memref_slice %arg3[%dma_start3A_341, %dma_start3A_342] : memref<1000000x32xf32, #tpu.memory_space<hbm>> -> memref<1000000x32xf32, #tpu.memory_space<hbm>>
          tpu.enqueue_indirect_dma source(%dma_start3A_343 : memref<1000000x32xf32, #tpu.memory_space<hbm>>) target(%dma_start3A_337 : memref<128x32xf32, #tpu.memory_space<vmem>>) offsets(%dma_start3A_340 : memref<128xi32, #tpu.memory_space<vmem>>) semaphore(%arg9 : memref<!tpu.dma_semaphore, #tpu.memory_space<semaphore_mem>>)
          %mul3A_344 = arith.constant 13 : i32
          %mul3A_345 = arith.muli %add3A_187, %mul3A_344 : i32
          %add3A_346 = arith.constant 12 : i32
          %add3A_347 = arith.addi %mul3A_345, %add3A_346 : i32
          %dma_start3A_348 = arith.constant 1536 : i32
          %dma_start3A_349 = arith.constant 0 : i32
          %dma_start3A_350 = tpu.memref_slice %arg7[%dma_start3A_348, %dma_start3A_349] : memref<1664x32xf32, #tpu.memory_space<vmem>> -> memref<128x32xf32, #tpu.memory_space<vmem>>
          %dma_start3A_351 = arith.constant 0 : i32
          %dma_start3A_352 = tpu.memref_slice %arg5[%add3A_347, %dma_start3A_351] : memref<104x128xi32, #tpu.memory_space<vmem>> -> memref<1x128xi32, #tpu.memory_space<vmem>>
          %dma_start3A_353 = tpu.memref_squeeze %dma_start3A_352 : memref<1x128xi32, #tpu.memory_space<vmem>> -> memref<128xi32, #tpu.memory_space<vmem>>
          %dma_start3A_354 = arith.constant 0 : i32
          %dma_start3A_355 = arith.constant 0 : i32
          %dma_start3A_356 = tpu.memref_slice %arg3[%dma_start3A_354, %dma_start3A_355] : memref<1000000x32xf32, #tpu.memory_space<hbm>> -> memref<1000000x32xf32, #tpu.memory_space<hbm>>
          tpu.enqueue_indirect_dma source(%dma_start3A_356 : memref<1000000x32xf32, #tpu.memory_space<hbm>>) target(%dma_start3A_350 : memref<128x32xf32, #tpu.memory_space<vmem>>) offsets(%dma_start3A_353 : memref<128xi32, #tpu.memory_space<vmem>>) semaphore(%arg9 : memref<!tpu.dma_semaphore, #tpu.memory_space<semaphore_mem>>)
        } else {
        }
      } else {
      }
      %eq3A_157 = arith.constant 1 : i32
      %eq3A_158 = arith.cmpi eq, %select_n3A_153, %eq3A_157 : i32
      %convert_element_type3A_159 = arith.extui %eq3A_158 : i1 to i32
      %cond3A_160 = arith.constant 0 : i32
      %cond3A_161 = arith.cmpi ne, %convert_element_type3A_159, %cond3A_160 : i32
      scf.if %cond3A_161 {
        %dma_wait3A_162 = arith.constant 0 : i32
        %dma_wait3A_163 = arith.constant 0 : i32
        %dma_wait3A_164 = tpu.memref_slice %arg3[%dma_wait3A_162, %dma_wait3A_163] : memref<1000000x32xf32, #tpu.memory_space<hbm>> -> memref<1664x32xf32, #tpu.memory_space<hbm>>
        %dma_wait3A_165 = arith.constant 0 : i32
        %dma_wait3A_166 = arith.constant 0 : i32
        %dma_wait3A_167 = tpu.memref_slice %arg3[%dma_wait3A_165, %dma_wait3A_166] : memref<1000000x32xf32, #tpu.memory_space<hbm>> -> memref<1664x32xf32, #tpu.memory_space<hbm>>
        tpu.wait_dma2 semaphore(%arg9 : memref<!tpu.dma_semaphore, #tpu.memory_space<semaphore_mem>>) src(%dma_wait3A_167 : memref<1664x32xf32, #tpu.memory_space<hbm>>) dst(%arg7 : memref<1664x32xf32, #tpu.memory_space<vmem>>)
        %mul3A_168 = arith.constant 1664 : i32
        %mul3A_169 = arith.muli %scan3A_144, %mul3A_168 : i32
        %add3A_170 = arith.addi %mul3A_2, %mul3A_169 : i32
        %dma_start3A_171 = arith.constant 0 : i32
        %dma_start3A_172 = tpu.memref_slice %arg4[%add3A_170, %dma_start3A_171] : memref<425984x32xf32, #tpu.memory_space<hbm>> -> memref<1664x32xf32, #tpu.memory_space<hbm>>
        %dma_start3A_173 = arith.constant 0 : i32
        %dma_start3A_174 = tpu.memref_slice %arg4[%add3A_170, %dma_start3A_173] : memref<425984x32xf32, #tpu.memory_space<hbm>> -> memref<1664x32xf32, #tpu.memory_space<hbm>>
        tpu.enqueue_dma source(%arg7 : memref<1664x32xf32, #tpu.memory_space<vmem>>) target(%dma_start3A_174 : memref<1664x32xf32, #tpu.memory_space<hbm>>) target_semaphore(%arg11 : memref<!tpu.dma_semaphore, #tpu.memory_space<semaphore_mem>>)
        %add3A_175 = arith.constant 1 : i32
        %add3A_176 = arith.addi %scan3A_144, %add3A_175 : i32
        %lt3A_177 = arith.constant 8 : i32
        %lt3A_178 = arith.cmpi slt, %add3A_176, %lt3A_177 : i32
        %convert_element_type3A_179 = arith.extui %lt3A_178 : i1 to i32
        %cond3A_180 = arith.constant 0 : i32
        %cond3A_181 = arith.cmpi ne, %convert_element_type3A_179, %cond3A_180 : i32
        scf.if %cond3A_181 {
          %ge3A = arith.constant 1 : i32
          %ge3A_182 = arith.cmpi sge, %scan3A_144, %ge3A : i32
          %convert_element_type3A_183 = arith.extui %ge3A_182 : i1 to i32
          %cond3A_184 = arith.constant 0 : i32
          %cond3A_185 = arith.cmpi ne, %convert_element_type3A_183, %cond3A_184 : i32
          scf.if %cond3A_185 {
            %dma_wait3A_357 = arith.constant 0 : i32
            %dma_wait3A_358 = tpu.memref_slice %arg4[%mul3A_2, %dma_wait3A_357] : memref<425984x32xf32, #tpu.memory_space<hbm>> -> memref<1664x32xf32, #tpu.memory_space<hbm>>
            %dma_wait3A_359 = arith.constant 0 : i32
            %dma_wait3A_360 = tpu.memref_slice %arg4[%mul3A_2, %dma_wait3A_359] : memref<425984x32xf32, #tpu.memory_space<hbm>> -> memref<1664x32xf32, #tpu.memory_space<hbm>>
            tpu.wait_dma2 semaphore(%arg10 : memref<!tpu.dma_semaphore, #tpu.memory_space<semaphore_mem>>) src(%arg6 : memref<1664x32xf32, #tpu.memory_space<vmem>>) dst(%dma_wait3A_360 : memref<1664x32xf32, #tpu.memory_space<hbm>>)
          } else {
          }
          %add3A_186 = arith.constant 1 : i32
          %add3A_187 = arith.addi %scan3A_144, %add3A_186 : i32
          %mul3A_188 = arith.constant 13 : i32
          %mul3A_189 = arith.muli %add3A_187, %mul3A_188 : i32
          %add3A_190 = arith.constant 0 : i32
          %add3A_191 = arith.addi %mul3A_189, %add3A_190 : i32
          %dma_start3A_192 = arith.constant 0 : i32
          %dma_start3A_193 = arith.constant 0 : i32
          %dma_start3A_194 = tpu.memref_slice %arg6[%dma_start3A_192, %dma_start3A_193] : memref<1664x32xf32, #tpu.memory_space<vmem>> -> memref<128x32xf32, #tpu.memory_space<vmem>>
          %dma_start3A_195 = arith.constant 0 : i32
          %dma_start3A_196 = tpu.memref_slice %arg5[%add3A_191, %dma_start3A_195] : memref<104x128xi32, #tpu.memory_space<vmem>> -> memref<1x128xi32, #tpu.memory_space<vmem>>
          %dma_start3A_197 = tpu.memref_squeeze %dma_start3A_196 : memref<1x128xi32, #tpu.memory_space<vmem>> -> memref<128xi32, #tpu.memory_space<vmem>>
          %dma_start3A_198 = arith.constant 0 : i32
          %dma_start3A_199 = arith.constant 0 : i32
          %dma_start3A_200 = tpu.memref_slice %arg3[%dma_start3A_198, %dma_start3A_199] : memref<1000000x32xf32, #tpu.memory_space<hbm>> -> memref<1000000x32xf32, #tpu.memory_space<hbm>>
          tpu.enqueue_indirect_dma source(%dma_start3A_200 : memref<1000000x32xf32, #tpu.memory_space<hbm>>) target(%dma_start3A_194 : memref<128x32xf32, #tpu.memory_space<vmem>>) offsets(%dma_start3A_197 : memref<128xi32, #tpu.memory_space<vmem>>) semaphore(%arg8 : memref<!tpu.dma_semaphore, #tpu.memory_space<semaphore_mem>>)
          %mul3A_201 = arith.constant 13 : i32
          %mul3A_202 = arith.muli %add3A_187, %mul3A_201 : i32
          %add3A_203 = arith.constant 1 : i32
          %add3A_204 = arith.addi %mul3A_202, %add3A_203 : i32
          %dma_start3A_205 = arith.constant 128 : i32
          %dma_start3A_206 = arith.constant 0 : i32
          %dma_start3A_207 = tpu.memref_slice %arg6[%dma_start3A_205, %dma_start3A_206] : memref<1664x32xf32, #tpu.memory_space<vmem>> -> memref<128x32xf32, #tpu.memory_space<vmem>>
          %dma_start3A_208 = arith.constant 0 : i32
          %dma_start3A_209 = tpu.memref_slice %arg5[%add3A_204, %dma_start3A_208] : memref<104x128xi32, #tpu.memory_space<vmem>> -> memref<1x128xi32, #tpu.memory_space<vmem>>
          %dma_start3A_210 = tpu.memref_squeeze %dma_start3A_209 : memref<1x128xi32, #tpu.memory_space<vmem>> -> memref<128xi32, #tpu.memory_space<vmem>>
          %dma_start3A_211 = arith.constant 0 : i32
          %dma_start3A_212 = arith.constant 0 : i32
          %dma_start3A_213 = tpu.memref_slice %arg3[%dma_start3A_211, %dma_start3A_212] : memref<1000000x32xf32, #tpu.memory_space<hbm>> -> memref<1000000x32xf32, #tpu.memory_space<hbm>>
          tpu.enqueue_indirect_dma source(%dma_start3A_213 : memref<1000000x32xf32, #tpu.memory_space<hbm>>) target(%dma_start3A_207 : memref<128x32xf32, #tpu.memory_space<vmem>>) offsets(%dma_start3A_210 : memref<128xi32, #tpu.memory_space<vmem>>) semaphore(%arg8 : memref<!tpu.dma_semaphore, #tpu.memory_space<semaphore_mem>>)
          %mul3A_214 = arith.constant 13 : i32
          %mul3A_215 = arith.muli %add3A_187, %mul3A_214 : i32
          %add3A_216 = arith.constant 2 : i32
          %add3A_217 = arith.addi %mul3A_215, %add3A_216 : i32
          %dma_start3A_218 = arith.constant 256 : i32
          %dma_start3A_219 = arith.constant 0 : i32
          %dma_start3A_220 = tpu.memref_slice %arg6[%dma_start3A_218, %dma_start3A_219] : memref<1664x32xf32, #tpu.memory_space<vmem>> -> memref<128x32xf32, #tpu.memory_space<vmem>>
          %dma_start3A_221 = arith.constant 0 : i32
          %dma_start3A_222 = tpu.memref_slice %arg5[%add3A_217, %dma_start3A_221] : memref<104x128xi32, #tpu.memory_space<vmem>> -> memref<1x128xi32, #tpu.memory_space<vmem>>
          %dma_start3A_223 = tpu.memref_squeeze %dma_start3A_222 : memref<1x128xi32, #tpu.memory_space<vmem>> -> memref<128xi32, #tpu.memory_space<vmem>>
          %dma_start3A_224 = arith.constant 0 : i32
          %dma_start3A_225 = arith.constant 0 : i32
          %dma_start3A_226 = tpu.memref_slice %arg3[%dma_start3A_224, %dma_start3A_225] : memref<1000000x32xf32, #tpu.memory_space<hbm>> -> memref<1000000x32xf32, #tpu.memory_space<hbm>>
          tpu.enqueue_indirect_dma source(%dma_start3A_226 : memref<1000000x32xf32, #tpu.memory_space<hbm>>) target(%dma_start3A_220 : memref<128x32xf32, #tpu.memory_space<vmem>>) offsets(%dma_start3A_223 : memref<128xi32, #tpu.memory_space<vmem>>) semaphore(%arg8 : memref<!tpu.dma_semaphore, #tpu.memory_space<semaphore_mem>>)
          %mul3A_227 = arith.constant 13 : i32
          %mul3A_228 = arith.muli %add3A_187, %mul3A_227 : i32
          %add3A_229 = arith.constant 3 : i32
          %add3A_230 = arith.addi %mul3A_228, %add3A_229 : i32
          %dma_start3A_231 = arith.constant 384 : i32
          %dma_start3A_232 = arith.constant 0 : i32
          %dma_start3A_233 = tpu.memref_slice %arg6[%dma_start3A_231, %dma_start3A_232] : memref<1664x32xf32, #tpu.memory_space<vmem>> -> memref<128x32xf32, #tpu.memory_space<vmem>>
          %dma_start3A_234 = arith.constant 0 : i32
          %dma_start3A_235 = tpu.memref_slice %arg5[%add3A_230, %dma_start3A_234] : memref<104x128xi32, #tpu.memory_space<vmem>> -> memref<1x128xi32, #tpu.memory_space<vmem>>
          %dma_start3A_236 = tpu.memref_squeeze %dma_start3A_235 : memref<1x128xi32, #tpu.memory_space<vmem>> -> memref<128xi32, #tpu.memory_space<vmem>>
          %dma_start3A_237 = arith.constant 0 : i32
          %dma_start3A_238 = arith.constant 0 : i32
          %dma_start3A_239 = tpu.memref_slice %arg3[%dma_start3A_237, %dma_start3A_238] : memref<1000000x32xf32, #tpu.memory_space<hbm>> -> memref<1000000x32xf32, #tpu.memory_space<hbm>>
          tpu.enqueue_indirect_dma source(%dma_start3A_239 : memref<1000000x32xf32, #tpu.memory_space<hbm>>) target(%dma_start3A_233 : memref<128x32xf32, #tpu.memory_space<vmem>>) offsets(%dma_start3A_236 : memref<128xi32, #tpu.memory_space<vmem>>) semaphore(%arg8 : memref<!tpu.dma_semaphore, #tpu.memory_space<semaphore_mem>>)
          %mul3A_240 = arith.constant 13 : i32
          %mul3A_241 = arith.muli %add3A_187, %mul3A_240 : i32
          %add3A_242 = arith.constant 4 : i32
          %add3A_243 = arith.addi %mul3A_241, %add3A_242 : i32
          %dma_start3A_244 = arith.constant 512 : i32
          %dma_start3A_245 = arith.constant 0 : i32
          %dma_start3A_246 = tpu.memref_slice %arg6[%dma_start3A_244, %dma_start3A_245] : memref<1664x32xf32, #tpu.memory_space<vmem>> -> memref<128x32xf32, #tpu.memory_space<vmem>>
          %dma_start3A_247 = arith.constant 0 : i32
          %dma_start3A_248 = tpu.memref_slice %arg5[%add3A_243, %dma_start3A_247] : memref<104x128xi32, #tpu.memory_space<vmem>> -> memref<1x128xi32, #tpu.memory_space<vmem>>
          %dma_start3A_249 = tpu.memref_squeeze %dma_start3A_248 : memref<1x128xi32, #tpu.memory_space<vmem>> -> memref<128xi32, #tpu.memory_space<vmem>>
          %dma_start3A_250 = arith.constant 0 : i32
          %dma_start3A_251 = arith.constant 0 : i32
          %dma_start3A_252 = tpu.memref_slice %arg3[%dma_start3A_250, %dma_start3A_251] : memref<1000000x32xf32, #tpu.memory_space<hbm>> -> memref<1000000x32xf32, #tpu.memory_space<hbm>>
          tpu.enqueue_indirect_dma source(%dma_start3A_252 : memref<1000000x32xf32, #tpu.memory_space<hbm>>) target(%dma_start3A_246 : memref<128x32xf32, #tpu.memory_space<vmem>>) offsets(%dma_start3A_249 : memref<128xi32, #tpu.memory_space<vmem>>) semaphore(%arg8 : memref<!tpu.dma_semaphore, #tpu.memory_space<semaphore_mem>>)
          %mul3A_253 = arith.constant 13 : i32
          %mul3A_254 = arith.muli %add3A_187, %mul3A_253 : i32
          %add3A_255 = arith.constant 5 : i32
          %add3A_256 = arith.addi %mul3A_254, %add3A_255 : i32
          %dma_start3A_257 = arith.constant 640 : i32
          %dma_start3A_258 = arith.constant 0 : i32
          %dma_start3A_259 = tpu.memref_slice %arg6[%dma_start3A_257, %dma_start3A_258] : memref<1664x32xf32, #tpu.memory_space<vmem>> -> memref<128x32xf32, #tpu.memory_space<vmem>>
          %dma_start3A_260 = arith.constant 0 : i32
          %dma_start3A_261 = tpu.memref_slice %arg5[%add3A_256, %dma_start3A_260] : memref<104x128xi32, #tpu.memory_space<vmem>> -> memref<1x128xi32, #tpu.memory_space<vmem>>
          %dma_start3A_262 = tpu.memref_squeeze %dma_start3A_261 : memref<1x128xi32, #tpu.memory_space<vmem>> -> memref<128xi32, #tpu.memory_space<vmem>>
          %dma_start3A_263 = arith.constant 0 : i32
          %dma_start3A_264 = arith.constant 0 : i32
          %dma_start3A_265 = tpu.memref_slice %arg3[%dma_start3A_263, %dma_start3A_264] : memref<1000000x32xf32, #tpu.memory_space<hbm>> -> memref<1000000x32xf32, #tpu.memory_space<hbm>>
          tpu.enqueue_indirect_dma source(%dma_start3A_265 : memref<1000000x32xf32, #tpu.memory_space<hbm>>) target(%dma_start3A_259 : memref<128x32xf32, #tpu.memory_space<vmem>>) offsets(%dma_start3A_262 : memref<128xi32, #tpu.memory_space<vmem>>) semaphore(%arg8 : memref<!tpu.dma_semaphore, #tpu.memory_space<semaphore_mem>>)
          %mul3A_266 = arith.constant 13 : i32
          %mul3A_267 = arith.muli %add3A_187, %mul3A_266 : i32
          %add3A_268 = arith.constant 6 : i32
          %add3A_269 = arith.addi %mul3A_267, %add3A_268 : i32
          %dma_start3A_270 = arith.constant 768 : i32
          %dma_start3A_271 = arith.constant 0 : i32
          %dma_start3A_272 = tpu.memref_slice %arg6[%dma_start3A_270, %dma_start3A_271] : memref<1664x32xf32, #tpu.memory_space<vmem>> -> memref<128x32xf32, #tpu.memory_space<vmem>>
          %dma_start3A_273 = arith.constant 0 : i32
          %dma_start3A_274 = tpu.memref_slice %arg5[%add3A_269, %dma_start3A_273] : memref<104x128xi32, #tpu.memory_space<vmem>> -> memref<1x128xi32, #tpu.memory_space<vmem>>
          %dma_start3A_275 = tpu.memref_squeeze %dma_start3A_274 : memref<1x128xi32, #tpu.memory_space<vmem>> -> memref<128xi32, #tpu.memory_space<vmem>>
          %dma_start3A_276 = arith.constant 0 : i32
          %dma_start3A_277 = arith.constant 0 : i32
          %dma_start3A_278 = tpu.memref_slice %arg3[%dma_start3A_276, %dma_start3A_277] : memref<1000000x32xf32, #tpu.memory_space<hbm>> -> memref<1000000x32xf32, #tpu.memory_space<hbm>>
          tpu.enqueue_indirect_dma source(%dma_start3A_278 : memref<1000000x32xf32, #tpu.memory_space<hbm>>) target(%dma_start3A_272 : memref<128x32xf32, #tpu.memory_space<vmem>>) offsets(%dma_start3A_275 : memref<128xi32, #tpu.memory_space<vmem>>) semaphore(%arg8 : memref<!tpu.dma_semaphore, #tpu.memory_space<semaphore_mem>>)
          %mul3A_279 = arith.constant 13 : i32
          %mul3A_280 = arith.muli %add3A_187, %mul3A_279 : i32
          %add3A_281 = arith.constant 7 : i32
          %add3A_282 = arith.addi %mul3A_280, %add3A_281 : i32
          %dma_start3A_283 = arith.constant 896 : i32
          %dma_start3A_284 = arith.constant 0 : i32
          %dma_start3A_285 = tpu.memref_slice %arg6[%dma_start3A_283, %dma_start3A_284] : memref<1664x32xf32, #tpu.memory_space<vmem>> -> memref<128x32xf32, #tpu.memory_space<vmem>>
          %dma_start3A_286 = arith.constant 0 : i32
          %dma_start3A_287 = tpu.memref_slice %arg5[%add3A_282, %dma_start3A_286] : memref<104x128xi32, #tpu.memory_space<vmem>> -> memref<1x128xi32, #tpu.memory_space<vmem>>
          %dma_start3A_288 = tpu.memref_squeeze %dma_start3A_287 : memref<1x128xi32, #tpu.memory_space<vmem>> -> memref<128xi32, #tpu.memory_space<vmem>>
          %dma_start3A_289 = arith.constant 0 : i32
          %dma_start3A_290 = arith.constant 0 : i32
          %dma_start3A_291 = tpu.memref_slice %arg3[%dma_start3A_289, %dma_start3A_290] : memref<1000000x32xf32, #tpu.memory_space<hbm>> -> memref<1000000x32xf32, #tpu.memory_space<hbm>>
          tpu.enqueue_indirect_dma source(%dma_start3A_291 : memref<1000000x32xf32, #tpu.memory_space<hbm>>) target(%dma_start3A_285 : memref<128x32xf32, #tpu.memory_space<vmem>>) offsets(%dma_start3A_288 : memref<128xi32, #tpu.memory_space<vmem>>) semaphore(%arg8 : memref<!tpu.dma_semaphore, #tpu.memory_space<semaphore_mem>>)
          %mul3A_292 = arith.constant 13 : i32
          %mul3A_293 = arith.muli %add3A_187, %mul3A_292 : i32
          %add3A_294 = arith.constant 8 : i32
          %add3A_295 = arith.addi %mul3A_293, %add3A_294 : i32
          %dma_start3A_296 = arith.constant 1024 : i32
          %dma_start3A_297 = arith.constant 0 : i32
          %dma_start3A_298 = tpu.memref_slice %arg6[%dma_start3A_296, %dma_start3A_297] : memref<1664x32xf32, #tpu.memory_space<vmem>> -> memref<128x32xf32, #tpu.memory_space<vmem>>
          %dma_start3A_299 = arith.constant 0 : i32
          %dma_start3A_300 = tpu.memref_slice %arg5[%add3A_295, %dma_start3A_299] : memref<104x128xi32, #tpu.memory_space<vmem>> -> memref<1x128xi32, #tpu.memory_space<vmem>>
          %dma_start3A_301 = tpu.memref_squeeze %dma_start3A_300 : memref<1x128xi32, #tpu.memory_space<vmem>> -> memref<128xi32, #tpu.memory_space<vmem>>
          %dma_start3A_302 = arith.constant 0 : i32
          %dma_start3A_303 = arith.constant 0 : i32
          %dma_start3A_304 = tpu.memref_slice %arg3[%dma_start3A_302, %dma_start3A_303] : memref<1000000x32xf32, #tpu.memory_space<hbm>> -> memref<1000000x32xf32, #tpu.memory_space<hbm>>
          tpu.enqueue_indirect_dma source(%dma_start3A_304 : memref<1000000x32xf32, #tpu.memory_space<hbm>>) target(%dma_start3A_298 : memref<128x32xf32, #tpu.memory_space<vmem>>) offsets(%dma_start3A_301 : memref<128xi32, #tpu.memory_space<vmem>>) semaphore(%arg8 : memref<!tpu.dma_semaphore, #tpu.memory_space<semaphore_mem>>)
          %mul3A_305 = arith.constant 13 : i32
          %mul3A_306 = arith.muli %add3A_187, %mul3A_305 : i32
          %add3A_307 = arith.constant 9 : i32
          %add3A_308 = arith.addi %mul3A_306, %add3A_307 : i32
          %dma_start3A_309 = arith.constant 1152 : i32
          %dma_start3A_310 = arith.constant 0 : i32
          %dma_start3A_311 = tpu.memref_slice %arg6[%dma_start3A_309, %dma_start3A_310] : memref<1664x32xf32, #tpu.memory_space<vmem>> -> memref<128x32xf32, #tpu.memory_space<vmem>>
          %dma_start3A_312 = arith.constant 0 : i32
          %dma_start3A_313 = tpu.memref_slice %arg5[%add3A_308, %dma_start3A_312] : memref<104x128xi32, #tpu.memory_space<vmem>> -> memref<1x128xi32, #tpu.memory_space<vmem>>
          %dma_start3A_314 = tpu.memref_squeeze %dma_start3A_313 : memref<1x128xi32, #tpu.memory_space<vmem>> -> memref<128xi32, #tpu.memory_space<vmem>>
          %dma_start3A_315 = arith.constant 0 : i32
          %dma_start3A_316 = arith.constant 0 : i32
          %dma_start3A_317 = tpu.memref_slice %arg3[%dma_start3A_315, %dma_start3A_316] : memref<1000000x32xf32, #tpu.memory_space<hbm>> -> memref<1000000x32xf32, #tpu.memory_space<hbm>>
          tpu.enqueue_indirect_dma source(%dma_start3A_317 : memref<1000000x32xf32, #tpu.memory_space<hbm>>) target(%dma_start3A_311 : memref<128x32xf32, #tpu.memory_space<vmem>>) offsets(%dma_start3A_314 : memref<128xi32, #tpu.memory_space<vmem>>) semaphore(%arg8 : memref<!tpu.dma_semaphore, #tpu.memory_space<semaphore_mem>>)
          %mul3A_318 = arith.constant 13 : i32
          %mul3A_319 = arith.muli %add3A_187, %mul3A_318 : i32
          %add3A_320 = arith.constant 10 : i32
          %add3A_321 = arith.addi %mul3A_319, %add3A_320 : i32
          %dma_start3A_322 = arith.constant 1280 : i32
          %dma_start3A_323 = arith.constant 0 : i32
          %dma_start3A_324 = tpu.memref_slice %arg6[%dma_start3A_322, %dma_start3A_323] : memref<1664x32xf32, #tpu.memory_space<vmem>> -> memref<128x32xf32, #tpu.memory_space<vmem>>
          %dma_start3A_325 = arith.constant 0 : i32
          %dma_start3A_326 = tpu.memref_slice %arg5[%add3A_321, %dma_start3A_325] : memref<104x128xi32, #tpu.memory_space<vmem>> -> memref<1x128xi32, #tpu.memory_space<vmem>>
          %dma_start3A_327 = tpu.memref_squeeze %dma_start3A_326 : memref<1x128xi32, #tpu.memory_space<vmem>> -> memref<128xi32, #tpu.memory_space<vmem>>
          %dma_start3A_328 = arith.constant 0 : i32
          %dma_start3A_329 = arith.constant 0 : i32
          %dma_start3A_330 = tpu.memref_slice %arg3[%dma_start3A_328, %dma_start3A_329] : memref<1000000x32xf32, #tpu.memory_space<hbm>> -> memref<1000000x32xf32, #tpu.memory_space<hbm>>
          tpu.enqueue_indirect_dma source(%dma_start3A_330 : memref<1000000x32xf32, #tpu.memory_space<hbm>>) target(%dma_start3A_324 : memref<128x32xf32, #tpu.memory_space<vmem>>) offsets(%dma_start3A_327 : memref<128xi32, #tpu.memory_space<vmem>>) semaphore(%arg8 : memref<!tpu.dma_semaphore, #tpu.memory_space<semaphore_mem>>)
          %mul3A_331 = arith.constant 13 : i32
          %mul3A_332 = arith.muli %add3A_187, %mul3A_331 : i32
          %add3A_333 = arith.constant 11 : i32
          %add3A_334 = arith.addi %mul3A_332, %add3A_333 : i32
          %dma_start3A_335 = arith.constant 1408 : i32
          %dma_start3A_336 = arith.constant 0 : i32
          %dma_start3A_337 = tpu.memref_slice %arg6[%dma_start3A_335, %dma_start3A_336] : memref<1664x32xf32, #tpu.memory_space<vmem>> -> memref<128x32xf32, #tpu.memory_space<vmem>>
          %dma_start3A_338 = arith.constant 0 : i32
          %dma_start3A_339 = tpu.memref_slice %arg5[%add3A_334, %dma_start3A_338] : memref<104x128xi32, #tpu.memory_space<vmem>> -> memref<1x128xi32, #tpu.memory_space<vmem>>
          %dma_start3A_340 = tpu.memref_squeeze %dma_start3A_339 : memref<1x128xi32, #tpu.memory_space<vmem>> -> memref<128xi32, #tpu.memory_space<vmem>>
          %dma_start3A_341 = arith.constant 0 : i32
          %dma_start3A_342 = arith.constant 0 : i32
          %dma_start3A_343 = tpu.memref_slice %arg3[%dma_start3A_341, %dma_start3A_342] : memref<1000000x32xf32, #tpu.memory_space<hbm>> -> memref<1000000x32xf32, #tpu.memory_space<hbm>>
          tpu.enqueue_indirect_dma source(%dma_start3A_343 : memref<1000000x32xf32, #tpu.memory_space<hbm>>) target(%dma_start3A_337 : memref<128x32xf32, #tpu.memory_space<vmem>>) offsets(%dma_start3A_340 : memref<128xi32, #tpu.memory_space<vmem>>) semaphore(%arg8 : memref<!tpu.dma_semaphore, #tpu.memory_space<semaphore_mem>>)
          %mul3A_344 = arith.constant 13 : i32
          %mul3A_345 = arith.muli %add3A_187, %mul3A_344 : i32
          %add3A_346 = arith.constant 12 : i32
          %add3A_347 = arith.addi %mul3A_345, %add3A_346 : i32
          %dma_start3A_348 = arith.constant 1536 : i32
          %dma_start3A_349 = arith.constant 0 : i32
          %dma_start3A_350 = tpu.memref_slice %arg6[%dma_start3A_348, %dma_start3A_349] : memref<1664x32xf32, #tpu.memory_space<vmem>> -> memref<128x32xf32, #tpu.memory_space<vmem>>
          %dma_start3A_351 = arith.constant 0 : i32
          %dma_start3A_352 = tpu.memref_slice %arg5[%add3A_347, %dma_start3A_351] : memref<104x128xi32, #tpu.memory_space<vmem>> -> memref<1x128xi32, #tpu.memory_space<vmem>>
          %dma_start3A_353 = tpu.memref_squeeze %dma_start3A_352 : memref<1x128xi32, #tpu.memory_space<vmem>> -> memref<128xi32, #tpu.memory_space<vmem>>
          %dma_start3A_354 = arith.constant 0 : i32
          %dma_start3A_355 = arith.constant 0 : i32
          %dma_start3A_356 = tpu.memref_slice %arg3[%dma_start3A_354, %dma_start3A_355] : memref<1000000x32xf32, #tpu.memory_space<hbm>> -> memref<1000000x32xf32, #tpu.memory_space<hbm>>
          tpu.enqueue_indirect_dma source(%dma_start3A_356 : memref<1000000x32xf32, #tpu.memory_space<hbm>>) target(%dma_start3A_350 : memref<128x32xf32, #tpu.memory_space<vmem>>) offsets(%dma_start3A_353 : memref<128xi32, #tpu.memory_space<vmem>>) semaphore(%arg8 : memref<!tpu.dma_semaphore, #tpu.memory_space<semaphore_mem>>)
        } else {
        }
      } else {
      }
    }
    %scan3A_136 = arith.constant 8 : i32
    %dma_wait3A = arith.constant 0 : i32
    %dma_wait3A_137 = tpu.memref_slice %arg4[%mul3A_2, %dma_wait3A] : memref<425984x32xf32, #tpu.memory_space<hbm>> -> memref<1664x32xf32, #tpu.memory_space<hbm>>
    %dma_wait3A_138 = arith.constant 0 : i32
    %dma_wait3A_139 = tpu.memref_slice %arg4[%mul3A_2, %dma_wait3A_138] : memref<425984x32xf32, #tpu.memory_space<hbm>> -> memref<1664x32xf32, #tpu.memory_space<hbm>>
    tpu.wait_dma2 semaphore(%arg10 : memref<!tpu.dma_semaphore, #tpu.memory_space<semaphore_mem>>) src(%arg6 : memref<1664x32xf32, #tpu.memory_space<vmem>>) dst(%dma_wait3A_139 : memref<1664x32xf32, #tpu.memory_space<hbm>>)
    %dma_wait3A_140 = arith.constant 0 : i32
    %dma_wait3A_141 = tpu.memref_slice %arg4[%mul3A_2, %dma_wait3A_140] : memref<425984x32xf32, #tpu.memory_space<hbm>> -> memref<1664x32xf32, #tpu.memory_space<hbm>>
    %dma_wait3A_142 = arith.constant 0 : i32
    %dma_wait3A_143 = tpu.memref_slice %arg4[%mul3A_2, %dma_wait3A_142] : memref<425984x32xf32, #tpu.memory_space<hbm>> -> memref<1664x32xf32, #tpu.memory_space<hbm>>
    tpu.wait_dma2 semaphore(%arg11 : memref<!tpu.dma_semaphore, #tpu.memory_space<semaphore_mem>>) src(%arg7 : memref<1664x32xf32, #tpu.memory_space<vmem>>) dst(%dma_wait3A_143 : memref<1664x32xf32, #tpu.memory_space<hbm>>)
    return
  }
}

</mosaic_0001>

<sc_bundles>
// kernel: kernel.3.cloned.1.call-start
scs
__scs_entry_jumppad:
0x0: {  	(pc) =	sbr.rel $0x88, $3  }
0x1: {  	(tag) =	ssettag $0x0;
	lr =	simm.s32 $0x1  }
0x2: {  	[smem:$0x3F9F] =	sst lr;
	_ =	strace $0xD0000000  }
0x3: {  	_ = 	snop  }
0x4: {  	_ = 	snop  }
0x5: {  	_ = 	snop  }
0x6: {  	_ = 	snop  }
0x7: {  	_ = 	snop  }
__scs_overlays_trampoline_lowered:
0x8: {  	[smem:$0x3FAE] =	sst s0  }
0x9: {  	[smem:$0x3FAF] =	sst s1  }
0xa: {  	[smem:$0x3FB0] =	sst s2  }
0xb: {  	[smem:$0x3FB1] =	sst s3  }
0xc: {  	[smem:$0x3FB2] =	sst s4  }
0xd: {  	[smem:$0x3FB3] =	sst s5  }
0xe: {  	[smem:$0x3FB4] =	sst s6  }
0xf: {  	[smem:$0x3FB5] =	sst s7  }
0x10: {  	[smem:$0x3FB6] =	sst s8  }
0x11: {  	[smem:$0x3FB7] =	sst s9;
	s0 =	simm.s32 @!p0 $0x0  }
0x12: {  	s1 =	sld [smem:$0x3F9D];
	s0 =	simm.s32 @p0 $0x1  }
0x13: {  	[smem:$0x3FB8] =	sst s0;
	s0 =	simm.s32 @!p1 $0x0  }
0x14: {  	s2 =	sld [smem:$0x3F9C];
	s0 =	simm.s32 @p1 $0x1  }
0x15: {  	[smem:$0x3FB9] =	sst s0;
	s0 =	simm.s32 @!p2 $0x0  }
0x16: {  	s3 =	sld [smem:$0x3FDB];
	s0 =	simm.s32 @p2 $0x1  }
0x17: {  	s4 =	simm.s32 $0x1BF5;
	[smem:$0x3FBB] =	sst s0  }
0x18: {  	s0 =	sld [smem:$0x3F9E];
	_ =	swait.ge [sflag:s4], $0x0  }
0x19: {  	s7 =	sld [smem:$0x3F9F]  }
0x1a: {  	s8 =	sadd.s32 $0xFFFFE003, lr  }
0x1b: {  	s9 =	sadd.s32 $0xFFFFFEF7, lr;
	s5 =	simm.s32 $0xFFFFFFFF;
	p2 =	slt.u32 s8, $0xFFFFF086  }
0x1c: {  	p1 =	slt.u32 s9, $0xF7A;
	s5 =	simm.s32 @!p2 $0x0  }
0x1d: {  	s5 =	simm.s32 @p1 $0x1;
	p0 =	seq.s32 s7, s2  }
0x1e: {  	s7 =	smul.u32 @!p0 $0xF7A, s2;
	p2 =	seq.s32 @!p0 s5, $0x0  }
0x1f: {  	s9 =	smul.u32 $0xF7A, s1;
	s8 =	simm.s32 @!p0 $0x1BF5;
	p2 =	por !p2, p0  }
0x20: {  	[sflag:s8] =	ssyncset.s32 @!p0 $0xFFFFF086;
	s6 =	sadd.s32 @!p0 s3, s7;
	s7 =	simm.s32 @!p0 $0x108  }
0x21: {  	s3 =	sadd.s32 s3, s9;
	s6 =	sadd.s32 @!p0 $0x88, s6;
	s7 =	simm.s32 @p2 $0x1082  }
0x22: {  	[simem:s7], [sflag:s8] =	dma.local @!p0 [hbm:s6], $0xF7A  }
0x23: {  	s9 =	sor.u32 $0xD0000000, s2;
	s6 =	simm.s32 $0x108;
	_ =	swait.ge @!p0 [sflag:s8], $0x0  }
0x24: {  	s3 =	sadd.s32 $0x88, s3;
	s6 =	simm.s32 @!p1 $0x1082;
	[sflag:s4] =	ssyncset.s32 $0xFFFFF086  }
0x25: {  	[simem:s6], [sflag:s4] =	dma.local [hbm:s3], $0xF7A  }
0x26: {  	[smem:$0x3F9F] =	sst s1;
	(tag) =	ssettag s2;
	_ =	strace s9  }
0x27: {  	s1 =	sld [smem:$0x3FAF]  }
0x28: {  	s2 =	sld [smem:$0x3FB0]  }
0x29: {  	s4 =	sld [smem:$0x3FB2]  }
0x2a: {  	p0 =	seq.s32 s5, $0x0;
	s5 =	sld [smem:$0x3FB3]  }
0x2b: {  	s6 =	sld [smem:$0x3FB4]  }
0x2c: {  	s7 =	sld [smem:$0x3FB5]  }
0x2d: {  	s3 =	simm.s32 $0x108;
	s8 =	sld [smem:$0x3FB6]  }
0x2e: {  	s3 =	simm.s32 @!p0 $0x1082;
	s9 =	sld [smem:$0x3FB7]  }
0x2f: {  	lr =	sadd.s32 s0, s3;
	s0 =	sld [smem:$0x3FAE]  }
0x30: {  	s3 =	sld [smem:$0x3FB1]  }
0x31: {  	[smem:$0x3FBA] =	sst s10  }
0x32: {  	s10 =	sld [smem:$0x3FB8];
	_ =	sdelay $0x3  }
0x33: {  	p0 =	seq.s32 s10, $0x1;
	s10 =	sld [smem:$0x3FBA];
	_ =	sdelay $0x3  }
0x34: {  	[smem:$0x3FBA] =	sst s10  }
0x35: {  	s10 =	sld [smem:$0x3FB9];
	_ =	sdelay $0x3  }
0x36: {  	p1 =	seq.s32 s10, $0x1;
	s10 =	sld [smem:$0x3FBA];
	_ =	sdelay $0x3  }
0x37: {  	[smem:$0x3FBA] =	sst s10  }
0x38: {  	s10 =	sld [smem:$0x3FBB]  }
0x39: {  	_ = 	snop;
	(pc) =	sbr.ind lr, $3  }
0x3a: {  	_ = 	snop  }
0x3b: {  	_ = 	snop  }
0x3c: {  	p2 =	seq.s32 s10, $0x1;
	s10 =	sld [smem:$0x3FBA]  }
0x3d: {  	_ =	shalt  }
0x3e: {  	_ =	shalt  }
0x3f: {  	_ =	shalt  }
0x40: {  	_ =	shalt  }
0x41: {  	_ =	shalt  }
0x42: {  	_ =	shalt  }
0x43: {  	_ =	shalt  }
0x44: {  	_ =	shalt  }
0x45: {  	_ =	shalt  }
0x46: {  	_ =	shalt  }
0x47: {  	_ =	shalt  }
0x48: {  	_ =	shalt  }
0x49: {  	_ =	shalt  }
0x4a: {  	_ =	shalt  }
0x4b: {  	_ =	shalt  }
0x4c: {  	_ =	shalt  }
0x4d: {  	_ =	shalt  }
0x4e: {  	_ =	shalt  }
0x4f: {  	_ =	shalt  }
0x50: {  	_ =	shalt  }
0x51: {  	_ =	shalt  }
0x52: {  	_ =	shalt  }
0x53: {  	_ =	shalt  }
0x54: {  	_ =	shalt  }
0x55: {  	_ =	shalt  }
0x56: {  	_ =	shalt  }
0x57: {  	_ =	shalt  }
0x58: {  	_ =	shalt  }
0x59: {  	_ =	shalt  }
0x5a: {  	_ =	shalt  }
0x5b: {  	_ =	shalt  }
0x5c: {  	_ =	shalt  }
0x5d: {  	_ =	shalt  }
0x5e: {  	_ =	shalt  }
0x5f: {  	_ =	shalt  }
0x60: {  	_ =	shalt  }
0x61: {  	_ =	shalt  }
0x62: {  	_ =	shalt  }
0x63: {  	_ =	shalt  }
0x64: {  	_ =	shalt  }
0x65: {  	_ =	shalt  }
0x66: {  	_ =	shalt  }
0x67: {  	_ =	shalt  }
0x68: {  	_ =	shalt  }
0x69: {  	_ =	shalt  }
0x6a: {  	_ =	shalt  }
0x6b: {  	_ =	shalt  }
0x6c: {  	_ =	shalt  }
0x6d: {  	_ =	shalt  }
0x6e: {  	_ =	shalt  }
0x6f: {  	_ =	shalt  }
0x70: {  	_ =	shalt  }
0x71: {  	_ =	shalt  }
0x72: {  	_ =	shalt  }
0x73: {  	_ =	shalt  }
0x74: {  	_ =	shalt  }
0x75: {  	_ =	shalt  }
0x76: {  	_ =	shalt  }
0x77: {  	_ =	shalt  }
0x78: {  	_ =	shalt  }
0x79: {  	_ =	shalt  }
0x7a: {  	_ =	shalt  }
0x7b: {  	_ =	shalt  }
0x7c: {  	_ =	shalt  }
0x7d: {  	_ =	shalt  }
0x7e: {  	_ =	shalt  }
0x7f: {  	_ =	shalt  }
0x80: {  	_ =	shalt  }
0x81: {  	_ =	shalt  }
0x82: {  	_ =	shalt  }
0x83: {  	_ =	shalt  }
0x84: {  	_ =	shalt  }
0x85: {  	_ =	shalt  }
0x86: {  	_ =	shalt  }
0x87: {  	_ =	shalt  }
.Lfunc_end0:
.L_simem_size_0:
called_computation.1_lowered:
.L_overlay_start_0:
0x88: {  	s2 =	sld [smem:$0x3FD9]  }
0x89: {  	s3 =	sld [smem:$0x3FFE];
	_ =	sdelay $0x1  }
0x8a: {  	s1 =	srdreg.scid  }
0x8b: {  	s0 =	sand.u32 $0x1, s1  }
0x8c: {  	s17 =	sshll.u32 s0, $0xA;
	s2 =	sadd.s32 s3, s2  }
0x8d: {  	s2 =	sadd.s32 s2, s17  }
0x8e: {  	[smem:$0x3FC6] =	sst s2  }
0x8f: {  	_ = 	snop  }
0x90: {  	s2 =	sld [smem:$0x3FD0];
	(tm) =	ssettm $0x1  }
0x91: {  	s18 =	sld [smem:$0x3FFB];
	_ =	sdelay $0x3  }
0x92: {  	_ =	strace s18  }
0x93: {  	s3 =	sld [smem:$0x3FFC];
	_ =	sdelay $0x3  }
0x94: {  	_ =	strace s3  }
0x95: {  	s3 =	sld [smem:$0x3FFD];
	_ =	sdelay $0x3  }
0x96: {  	_ =	strace s3  }
0x97: {  	_ =	strace $0x8FFFFFFF  }
0x98: {  	s19 =	sld [smem:$0x3FDB];
	_ =	sdelay $0x1  }
0x99: {  	s4 =	simm.s32 $_scs_section_size  }
0x9a: {  	s5 =	simm.s32 $_size__tile_overlayer_lowered;
	s6 =	simm.s32 $_tile_overlayer_lowered  }
0x9b: {  	s22 =	simm.s32 $0x1BFF;
	s21 =	sshll.u32 s6, $0x1;
	s3 =	sadd.s32 s4, s19  }
0x9c: {  	s7 =	simm.s32 $0x0;
	s20 =	sshll.u32 s5, $0x1;
	s5 =	sadd.s32 s21, s3  }
0x9d: {  	[timem:s7], [sflag:s22] =	dma.local [hbm:s5], s20  }
0x9e: {  	_ =	swait.ge [sflag:s22], s20  }
0x9f: {  	s4 =	ssub.s32 $0x0, s20;
	[sflag:s22] =	ssyncset.done $0x0  }
0xa0: {  	[sflag:s22] =	ssyncadd.s32 s4;
	_ =	sdelay $0x1  }
0xa1: {  	s23 =	simm.s32 $0x1B8B  }
0xa2: {  	_ =	swait.ge [sflag:s23], $0x1  }
0xa3: {  	[sflag:s23] =	ssyncset.done $0x0  }
0xa4: {  	s25 =	simm.s32 $0x1B8E;
	s24 =	sld [smem:$0x3FFE];
	[sflag:s23] =	ssyncadd.s32 $0xFFFFFFFF  }
0xa5: {  	s26 =	simm.s32 $execute0_lowered;
	[smem:$0x3FD2] =	sst s25  }
0xa6: {  	s5 =	sshll.u32 s26, $0x1;
	_ =	strace $0x80000046;
	[dreg:$0x1] =	wrdreg $0xFFFFFFFF  }
0xa7: {  	s28 =	simm.s32 $_size_execute0_lowered;
	s3 =	sadd.s32 s3, s5;
	[dreg:$0x0] =	wrdreg $0x0  }
0xa8: {  	s5 =	sshll.u32 s28, $0x1;
	[dreg:$0x2] =	wrdreg s3  }
0xa9: {  	[dreg:$0x3] =	wrdreg s5  }
0xaa: {  	[dreg:$0x4] =	wrdreg $0xC0  }
0xab: {  	_ =	task [dreg:s7], $0x5FFFF  }
0xac: {  	[dreg:$0x1] =	wrdreg $0xFFFFFFFF  }
0xad: {  	[dreg:$0x0] =	wrdreg $0x60  }
0xae: {  	[dreg:$0x2] =	wrdreg s24  }
0xaf: {  	[dreg:$0x3] =	wrdreg s2  }
0xb0: {  	[dreg:$0x4] =	wrdreg $0x9  }
0xb1: {  	_ =	task.clear_ibuf [dreg:s7], $0x5FFFF;
	_ =	strace $0x90000046  }
0xb2: {  	s29 =	simm.s32 $0x9;
	_ =	strace $0x80000048  }
0xb3: {  	_ =	swait.ge [sflag:s29], $0x1  }
0xb4: {  	[sflag:s29] =	ssyncadd.s32 $0xFFFFFFFF  }
0xb5: {  	_ =	strace $0x90000048  }
0xb6: {  	_ =	sfence  }
0xb7: {  	s30 =	sld [smem:$0x0];
	_ =	sdelay $0x2  }
0xb8: {  	s31 =	sshll.u32 s1, $0xD;
	s1 =	sshrl.u32 s1, $0x2  }
0xb9: {  	s3 =	sand.u32 $0x4000, s31;
	s1 =	sadd.s32 s1, s30  }
0xba: {  	s0 =	sor.u32 s3, s0;
	s1 =	sshll.u32 s1, $0x11  }
0xbb: {  	s0 =	sor.u32 s1, s0  }
0xbc: {  	s0 =	sadd.s32 $0x8F2B, s0  }
0xbd: {  	[sflag:s0] =	ssyncadd.remote.s32 $0x1  }
0xbe: {  	_ =	sfence.sel $0xFFFF  }
0xbf: {  	[dreg:$0x0] =	wrdreg $0xFFFFFFFF;
	(pc) =	sbr.abs _section_cstart, $3  }
0xc0: {  	[dreg:$0x1] =	wrdreg $0xFFFFFFFF  }
0xc1: {  	_ =	task.clear_ibuf [dreg:s7], $0x2FFFF;
	_ =	strace $0x9FFFFFFF  }
0xc2: {  	(tm) =	ssettm $0x7FFFFFFF  }
0xc3: {  	_ =	shalt  }
tec
execute0_lowered:
.L_overlay_start_1:
0x0: {  	(tag) =	ssettag $0x1  }
0x1: {  	s0 =	srdreg.scid;
	s1 =	stileid.u32  }
0x2: {  	s4 =	rddreg [dreg:$0x1];
	s0 =	sand.u32 $0x1, s0;
	s2 =	sshll.u32 s1, $0x1  }
0x3: {  	s1 =	rddreg [dreg:$0x0];
	s3 =	sor.u32 s0, s2;
	s2 =	simm.s32 $0x0  }
0x4: {  	s6 =	simm.s32 $0x200;
	[smem:$0x7FF] =	sst s2  }
0x5: {  	s7 =	simm.s32 $0x280;
	_ =	strace $0x80000047;
	[dreg:$0xd] =	wrdreg s6  }
0x6: {  	s8 =	simm.s32 $0x300;
	[dreg:$0xe] =	wrdreg s7  }
0x7: {  	s9 =	simm.s32 $0x380;
	[dreg:$0xf] =	wrdreg s8  }
0x8: {  	s10 =	simm.s32 $0x400;
	[dreg:$0x10] =	wrdreg s9  }
0x9: {  	s11 =	simm.s32 $0x480;
	[dreg:$0x11] =	wrdreg s10  }
0xa: {  	s12 =	simm.s32 $0x500;
	[dreg:$0x12] =	wrdreg s11  }
0xb: {  	s13 =	simm.s32 $0x580;
	[dreg:$0x13] =	wrdreg s12  }
0xc: {  	s14 =	simm.s32 $0x600;
	[dreg:$0x14] =	wrdreg s13  }
0xd: {  	s15 =	simm.s32 $0x680;
	[dreg:$0x15] =	wrdreg s14  }
0xe: {  	s16 =	simm.s32 $0x700;
	[dreg:$0x16] =	wrdreg s15  }
0xf: {  	s17 =	simm.s32 $0x780;
	[dreg:$0x17] =	wrdreg s16  }
0x10: {  	s18 =	simm.s32 $0x800;
	[dreg:$0x18] =	wrdreg s17  }
0x11: {  	s19 =	simm.s32 $0x880;
	[dreg:$0x19] =	wrdreg s18  }
0x12: {  	s20 =	simm.s32 $0x900;
	[dreg:$0x1a] =	wrdreg s19  }
0x13: {  	[dreg:$0x1b] =	wrdreg s20;
	s6 =	simm.s32 $0xD80  }
0x14: {  	s7 =	simm.s32 $0xE00;
	[smem:$0x7B1] =	sst s6  }
0x15: {  	s8 =	simm.s32 $0xE80;
	[smem:$0x7B2] =	sst s7  }
0x16: {  	s9 =	simm.s32 $0xF00;
	[smem:$0x7B3] =	sst s8  }
0x17: {  	s10 =	simm.s32 $0xF80;
	[smem:$0x7B4] =	sst s9  }
0x18: {  	s11 =	simm.s32 $0x1000;
	[smem:$0x7B5] =	sst s10  }
0x19: {  	s12 =	simm.s32 $0x1080;
	[smem:$0x7B6] =	sst s11  }
0x1a: {  	s13 =	simm.s32 $0x1100;
	[smem:$0x7B7] =	sst s12  }
0x1b: {  	s14 =	simm.s32 $0x1180;
	[smem:$0x7B8] =	sst s13  }
0x1c: {  	s15 =	simm.s32 $0x1200;
	[smem:$0x7B9] =	sst s14  }
0x1d: {  	s16 =	simm.s32 $0x1280;
	[smem:$0x7BA] =	sst s15  }
0x1e: {  	s17 =	simm.s32 $0x1300;
	[smem:$0x7BB] =	sst s16  }
0x1f: {  	s5 =	smul.u32 $0x680, s3;
	s18 =	simm.s32 $0x1380;
	[smem:$0x7BC] =	sst s17  }
0x20: {  	s3 =	smul.u32 $0xD000, s3;
	s19 =	simm.s32 $0x1400;
	[smem:$0x7BD] =	sst s18  }
0x21: {  	s20 =	simm.s32 $0x1480;
	[smem:$0x7BE] =	sst s19  }
0x22: {  	s4 =	sadd.s32 s4, s3;
	[smem:$0x7BF] =	sst s20  }
0x23: {  	s6 =	simm.s32 $0x1900;
	[smem:$0x7AC] =	sst s4  }
0x24: {  	s7 =	simm.s32 $0x1980;
	[smem:$0x7C8] =	sst s6  }
0x25: {  	s8 =	simm.s32 $0x1A00;
	[smem:$0x7C9] =	sst s7  }
0x26: {  	s9 =	simm.s32 $0x1A80;
	[smem:$0x7CA] =	sst s8  }
0x27: {  	s10 =	simm.s32 $0x1B00;
	[smem:$0x7CB] =	sst s9  }
0x28: {  	s11 =	simm.s32 $0x1B80;
	[smem:$0x7CC] =	sst s10  }
0x29: {  	s12 =	simm.s32 $0x1C00;
	[smem:$0x7CD] =	sst s11  }
0x2a: {  	s13 =	simm.s32 $0x1C80;
	[smem:$0x7CE] =	sst s12  }
0x2b: {  	s14 =	simm.s32 $0x1D00;
	[smem:$0x7CF] =	sst s13  }
0x2c: {  	s15 =	simm.s32 $0x1D80;
	[smem:$0x7D0] =	sst s14  }
0x2d: {  	s16 =	simm.s32 $0x1E00;
	[smem:$0x7D1] =	sst s15  }
0x2e: {  	s17 =	simm.s32 $0x1E80;
	[smem:$0x7D2] =	sst s16  }
0x2f: {  	s18 =	simm.s32 $0x1F00;
	[smem:$0x7D3] =	sst s17  }
0x30: {  	s19 =	simm.s32 $0x1F80;
	[smem:$0x7D4] =	sst s18  }
0x31: {  	s5 =	sadd.s32 s5, s1;
	s20 =	simm.s32 $0x2000;
	[smem:$0x7D5] =	sst s19  }
0x32: {  	s5 =	sadd.s32 $0xA00, s5;
	[smem:$0x7D6] =	sst s20  }
0x33: {  	s3 =	sadd.s32 $0x1A00, s4;
	[dreg:$0x3] =	wrdreg s5  }
0x34: {  	s21 =	sadd.s32 $0x3400, s4;
	[dreg:$0x4] =	wrdreg s3  }
0x35: {  	s22 =	sadd.s32 $0x4E00, s4;
	[dreg:$0x5] =	wrdreg s21  }
0x36: {  	s23 =	sadd.s32 $0x6800, s4;
	[dreg:$0x6] =	wrdreg s22  }
0x37: {  	s24 =	sadd.s32 $0x8200, s4;
	[dreg:$0x7] =	wrdreg s23  }
0x38: {  	s25 =	sadd.s32 $0x9C00, s4;
	[dreg:$0x8] =	wrdreg s24  }
0x39: {  	s26 =	sadd.s32 $0xB600, s4;
	[dreg:$0x9] =	wrdreg s25  }
0x3a: {  	s4 =	simm.s32 $0x100;
	[dreg:$0xa] =	wrdreg s26  }
0x3b: {  	s6 =	simm.s32 $0x2480;
	[dreg:$0xb] =	wrdreg s4  }
0x3c: {  	s7 =	simm.s32 $0x2500;
	[smem:$0x7DF] =	sst s6  }
0x3d: {  	s8 =	simm.s32 $0x2580;
	[smem:$0x7E0] =	sst s7  }
0x3e: {  	s9 =	simm.s32 $0x2600;
	[smem:$0x7E1] =	sst s8  }
0x3f: {  	s10 =	simm.s32 $0x2680;
	[smem:$0x7E2] =	sst s9  }
0x40: {  	s11 =	simm.s32 $0x2700;
	[smem:$0x7E3] =	sst s10  }
0x41: {  	s12 =	simm.s32 $0x2780;
	[smem:$0x7E4] =	sst s11  }
0x42: {  	s13 =	simm.s32 $0x2800;
	[smem:$0x7E5] =	sst s12  }
0x43: {  	s14 =	simm.s32 $0x2880;
	[smem:$0x7E6] =	sst s13  }
0x44: {  	s16 =	simm.s32 $0x2900;
	[smem:$0x7E7] =	sst s14  }
0x45: {  	s17 =	simm.s32 $0x2980;
	[smem:$0x7E8] =	sst s16  }
0x46: {  	s18 =	simm.s32 $0x2A00;
	[smem:$0x7E9] =	sst s17  }
0x47: {  	s19 =	simm.s32 $0x2A80;
	[smem:$0x7EA] =	sst s18  }
0x48: {  	s20 =	simm.s32 $0x2B00;
	[smem:$0x7EB] =	sst s19  }
0x49: {  	s5 =	simm.s32 $0x180;
	[smem:$0x7EC] =	sst s20  }
0x4a: {  	s21 =	simm.s32 $0x980;
	[dreg:$0xc] =	wrdreg s5  }
0x4b: {  	s22 =	simm.s32 $0xA00;
	[dreg:$0x1c] =	wrdreg s21  }
0x4c: {  	s23 =	simm.s32 $0xA80;
	[dreg:$0x1d] =	wrdreg s22  }
0x4d: {  	s24 =	simm.s32 $0xB00;
	[dreg:$0x1e] =	wrdreg s23  }
0x4e: {  	s25 =	simm.s32 $0xB80;
	[dreg:$0x1f] =	wrdreg s24  }
0x4f: {  	s26 =	simm.s32 $0xC00;
	[smem:$0x7AD] =	sst s25  }
0x50: {  	s4 =	simm.s32 $0xC80;
	[smem:$0x7AE] =	sst s26  }
0x51: {  	s6 =	simm.s32 $0x2E80;
	[smem:$0x7AF] =	sst s4  }
0x52: {  	s7 =	simm.s32 $0x2F00;
	[smem:$0x7F3] =	sst s6  }
0x53: {  	s8 =	simm.s32 $0x2F80;
	[smem:$0x7F4] =	sst s7  }
0x54: {  	s9 =	simm.s32 $0x3000;
	[smem:$0x7F5] =	sst s8  }
0x55: {  	s10 =	simm.s32 $0x3080;
	[smem:$0x7F6] =	sst s9  }
0x56: {  	s30 =	simm.s32 $0xD400;
	s11 =	simm.s32 $0x3100;
	[smem:$0x7F7] =	sst s10  }
0x57: {  	s28 =	simm.s32 $0x11400;
	s13 =	simm.s32 $0x3180;
	[smem:$0x7F8] =	sst s11  }
0x58: {  	p0 =	por $0x0, $0x0;
	s14 =	simm.s32 $0x3200;
	[smem:$0x7F9] =	sst s13  }
0x59: {  	s0 =	ssub.s32 $0x2, s0;
	s20 =	simm.s32 $0x3280;
	[smem:$0x7FA] =	sst s14  }
0x5a: {  	s29 =	simm.s32 $0x19400;
	s15 =	sshrl.u32 s0, $0x1;
	[smem:$0x7FB] =	sst s20  }
0x5b: {  	s3 =	sadd.s32 $0xF42E00, s1;
	s5 =	simm.s32 $0xD00;
	s13 =	rddreg [dreg:$0x3]  }
0x5c: {  	s0 =	ssub.s32 s0, s15;
	s21 =	simm.s32 $0x1500;
	[smem:$0x7B0] =	sst s5  }
0x5d: {  	s16 =	simm.s32 $0x3400;
	s22 =	simm.s32 $0x1580;
	[smem:$0x7C0] =	sst s21  }
0x5e: {  	s12 =	simm.s32 $0x4400;
	s23 =	simm.s32 $0x1600;
	[smem:$0x7C1] =	sst s22  }
0x5f: {  	s15 =	simm.s32 $0x5400;
	s24 =	simm.s32 $0x1680;
	[smem:$0x7C2] =	sst s23  }
0x60: {  	s18 =	simm.s32 $0x6400;
	s25 =	simm.s32 $0x1700;
	[smem:$0x7C3] =	sst s24  }
0x61: {  	s19 =	simm.s32 $0xA400;
	s26 =	simm.s32 $0x1780;
	[smem:$0x7C4] =	sst s25  }
0x62: {  	s17 =	simm.s32 $0x1;
	s4 =	simm.s32 $0x1800;
	[smem:$0x7C5] =	sst s26  }
0x63: {  	s0 =	smax.u32 s0, $0x1;
	[smem:$0x7C6] =	sst s4;
	s5 =	simm.s32 $0x1880  }
0x64: {  	s9 =	simm.s32 $0xF400;
	s21 =	simm.s32 $0x2080;
	[smem:$0x7C7] =	sst s5  }
0x65: {  	s7 =	simm.s32 $0x10400;
	s22 =	simm.s32 $0x2100;
	[smem:$0x7D7] =	sst s21  }
0x66: {  	s11 =	simm.s32 $0x13400;
	s23 =	simm.s32 $0x2180;
	[smem:$0x7D8] =	sst s22  }
0x67: {  	s6 =	simm.s32 $0x16400;
	s24 =	simm.s32 $0x2200;
	[smem:$0x7D9] =	sst s23  }
0x68: {  	s14 =	simm.s32 $0x2;
	s25 =	simm.s32 $0x2280;
	[smem:$0x7DA] =	sst s24  }
0x69: {  	s10 =	simm.s32 $0x3;
	s26 =	simm.s32 $0x2300;
	[smem:$0x7DB] =	sst s25  }
0x6a: {  	s8 =	simm.s32 $0x4;
	s4 =	simm.s32 $0x2380;
	[smem:$0x7DC] =	sst s26  }
0x6b: {  	p1 =	sne.s32 s0, $0x1;
	[smem:$0x7DD] =	sst s4;
	s5 =	simm.s32 $0x2400  }
0x6c: {  	s31 =	sadd.s32 $0xFFFFFFFF, s0;
	s21 =	simm.s32 $0x2B80;
	[smem:$0x7DE] =	sst s5  }
0x6d: {  	s4 =	simm.s32 $0x80;
	s22 =	simm.s32 $0x2C00;
	[smem:$0x7ED] =	sst s21  }
0x6e: {  	s23 =	simm.s32 $0x2C80;
	s24 =	simm.s32 $0x2D00;
	[smem:$0x7EE] =	sst s22  }
0x6f: {  	s25 =	simm.s32 $0x2D80;
	s26 =	simm.s32 $0x2E00;
	[smem:$0x7EF] =	sst s23  }
.Ltmp0:
0x70: {  	s21 =	simm.s32 $0x7400;
	[smem:$0x7F0] =	sst s24;
	(pc) =	sbr.rel @!p1 .LBB2_1-.Ltmp0, $4  }
0x71: {  	s22 =	simm.s32 $0x8400;
	[smem:$0x7F1] =	sst s25;
	s5 =	simm.s32 $0x9400  }
0x72: {  	[smem:$0x7F2] =	sst s26;
	s24 =	simm.s32 $0xB400;
	s23 =	simm.s32 $0x3300  }
0x73: {  	s26 =	simm.s32 $0xC400;
	s25 =	simm.s32 $0x3380;
	[smem:$0x7FC] =	sst s23  }
0x74: {  	[smem:$0x7FD] =	sst s25;
	s25 =	simm.s32 $0x1A400;
	s23 =	simm.s32 $0x1C400  }
0x75: {  	[tilespmem:s2], [sflag:$0x5] =	stream.linear.gather [hbm4b:s13+s2], $0x3400, $0x38;
	[tilespmem:$0x1D400] =	vst v63  }
0x76: {  	s20 =	simm.s32 $0x5  }
0x77: {  	_ =	swait.ge [sflag:s20], $0x3400  }
0x78: {  	[sflag:s20] =	ssyncset.done $0x0  }
0x79: {  	[sflag:s20] =	ssyncadd.s32 $0xFFFFCC00  }
0x7a: {  	[tilespmem:s16], [sflag:$0x1] =	stream.indirect.gather [hbm4b:s3+s4], $0x20, s2, s4, $0xb8;
	[tilespmem:$0x1D400] =	vst v63  }
0x7b: {  	_ = 	snop  }
0x7c: {  	[tilespmem:s12], [sflag:$0x1] =	stream.indirect.gather [hbm4b:s3+s4], $0x20, s4, s4, $0xb8;
	[tilespmem:$0x1D400] =	vst v63  }
0x7d: {  	s0 =	rddreg [dreg:$0xb]  }
0x7e: {  	[tilespmem:s15], [sflag:$0x1] =	stream.indirect.gather [hbm4b:s3+s4], $0x20, s0, s4, $0xb8;
	[tilespmem:$0x1D400] =	vst v63  }
0x7f: {  	s1 =	rddreg [dreg:$0xc]  }
0x80: {  	[tilespmem:s18], [sflag:$0x1] =	stream.indirect.gather [hbm4b:s3+s4], $0x20, s1, s4, $0xb8;
	[tilespmem:$0x1D400] =	vst v63  }
0x81: {  	s15 =	rddreg [dreg:$0xd]  }
0x82: {  	[tilespmem:s21], [sflag:$0x1] =	stream.indirect.gather [hbm4b:s3+s4], $0x20, s15, s4, $0xb8;
	[tilespmem:$0x1D400] =	vst v63  }
0x83: {  	s20 =	rddreg [dreg:$0xe]  }
0x84: {  	[tilespmem:s22], [sflag:$0x1] =	stream.indirect.gather [hbm4b:s3+s4], $0x20, s20, s4, $0xb8;
	[tilespmem:$0x1D400] =	vst v63  }
0x85: {  	s0 =	rddreg [dreg:$0xf]  }
0x86: {  	[tilespmem:s5], [sflag:$0x1] =	stream.indirect.gather [hbm4b:s3+s4], $0x20, s0, s4, $0xb8;
	[tilespmem:$0x1D400] =	vst v63  }
0x87: {  	s1 =	rddreg [dreg:$0x10]  }
0x88: {  	[tilespmem:s19], [sflag:$0x1] =	stream.indirect.gather [hbm4b:s3+s4], $0x20, s1, s4, $0xb8;
	[tilespmem:$0x1D400] =	vst v63  }
0x89: {  	s15 =	rddreg [dreg:$0x11]  }
0x8a: {  	[tilespmem:s24], [sflag:$0x1] =	stream.indirect.gather [hbm4b:s3+s4], $0x20, s15, s4, $0xb8;
	[tilespmem:$0x1D400] =	vst v63  }
0x8b: {  	s18 =	rddreg [dreg:$0x12]  }
0x8c: {  	[tilespmem:s26], [sflag:$0x1] =	stream.indirect.gather [hbm4b:s3+s4], $0x20, s18, s4, $0xb8;
	[tilespmem:$0x1D400] =	vst v63  }
0x8d: {  	s19 =	rddreg [dreg:$0x13]  }
0x8e: {  	[tilespmem:s30], [sflag:$0x1] =	stream.indirect.gather [hbm4b:s3+s4], $0x20, s19, s4, $0xb8;
	[tilespmem:$0x1D400] =	vst v63  }
0x8f: {  	s20 =	rddreg [dreg:$0x14];
	s0 =	simm.s32 $0xE400  }
0x90: {  	[tilespmem:s0], [sflag:$0x1] =	stream.indirect.gather [hbm4b:s3+s4], $0x20, s20, s4, $0xb8;
	[tilespmem:$0x1D400] =	vst v63  }
0x91: {  	s21 =	rddreg [dreg:$0x15]  }
0x92: {  	[tilespmem:s9], [sflag:$0x1] =	stream.indirect.gather [hbm4b:s3+s4], $0x20, s21, s4, $0xb8;
	[tilespmem:$0x1D400] =	vst v63  }
0x93: {  	_ =	swait.ge [sflag:s17], $0xD000  }
0x94: {  	s5 =	sld [smem:$0x7AC]  }
0x95: {  	[sflag:s17] =	ssyncset.done $0x0  }
0x96: {  	s1 =	rddreg [dreg:$0x16];
	[sflag:s17] =	ssyncadd.s32 $0xFFFF3000  }
0x97: {  	[hbm4b:s5+s2] =	stream.linear.scatter [tilespmem:s16], [sflag:$0x3], $0xD000, $0x38;
	[tilespmem:$0x1D400] =	vst v63  }
0x98: {  	s15 =	rddreg [dreg:$0x17]  }
0x99: {  	[tilespmem:s7], [sflag:$0x2] =	stream.indirect.gather [hbm4b:s3+s4], $0x20, s1, s4, $0xb8;
	[tilespmem:$0x1D400] =	vst v63  }
0x9a: {  	s18 =	rddreg [dreg:$0x19]  }
0x9b: {  	[tilespmem:s28], [sflag:$0x2] =	stream.indirect.gather [hbm4b:s3+s4], $0x20, s15, s4, $0xb8;
	[tilespmem:$0x1D400] =	vst v63  }
0x9c: {  	s20 =	simm.s32 $0x12400;
	s17 =	rddreg [dreg:$0x18]  }
0x9d: {  	[tilespmem:s20], [sflag:$0x2] =	stream.indirect.gather [hbm4b:s3+s4], $0x20, s17, s4, $0xb8;
	[tilespmem:$0x1D400] =	vst v63  }
0x9e: {  	s12 =	rddreg [dreg:$0x1a]  }
0x9f: {  	[tilespmem:s11], [sflag:$0x2] =	stream.indirect.gather [hbm4b:s3+s4], $0x20, s18, s4, $0xb8;
	[tilespmem:$0x1D400] =	vst v63  }
0xa0: {  	s13 =	rddreg [dreg:$0x1b];
	s17 =	simm.s32 $0x14400  }
0xa1: {  	[tilespmem:s17], [sflag:$0x2] =	stream.indirect.gather [hbm4b:s3+s4], $0x20, s12, s4, $0xb8;
	[tilespmem:$0x1D400] =	vst v63  }
0xa2: {  	s15 =	simm.s32 $0x15400;
	s17 =	rddreg [dreg:$0x1c]  }
0xa3: {  	[tilespmem:s15], [sflag:$0x2] =	stream.indirect.gather [hbm4b:s3+s4], $0x20, s13, s4, $0xb8;
	[tilespmem:$0x1D400] =	vst v63  }
0xa4: {  	s13 =	rddreg [dreg:$0x1d]  }
0xa5: {  	[tilespmem:s6], [sflag:$0x2] =	stream.indirect.gather [hbm4b:s3+s4], $0x20, s17, s4, $0xb8;
	[tilespmem:$0x1D400] =	vst v63  }
0xa6: {  	s21 =	simm.s32 $0x17400;
	s17 =	rddreg [dreg:$0x1e]  }
0xa7: {  	[tilespmem:s21], [sflag:$0x2] =	stream.indirect.gather [hbm4b:s3+s4], $0x20, s13, s4, $0xb8;
	[tilespmem:$0x1D400] =	vst v63  }
0xa8: {  	s7 =	simm.s32 $0x18400;
	s21 =	rddreg [dreg:$0x1f]  }
0xa9: {  	[tilespmem:s7], [sflag:$0x2] =	stream.indirect.gather [hbm4b:s3+s4], $0x20, s17, s4, $0xb8;
	[tilespmem:$0x1D400] =	vst v63  }
0xaa: {  	s7 =	sld [smem:$0x7AD]  }
0xab: {  	[tilespmem:s29], [sflag:$0x2] =	stream.indirect.gather [hbm4b:s3+s4], $0x20, s21, s4, $0xb8;
	[tilespmem:$0x1D400] =	vst v63  }
0xac: {  	s21 =	sld [smem:$0x7AE]  }
0xad: {  	[tilespmem:s25], [sflag:$0x2] =	stream.indirect.gather [hbm4b:s3+s4], $0x20, s7, s4, $0xb8;
	[tilespmem:$0x1D400] =	vst v63  }
0xae: {  	s1 =	simm.s32 $0x1B400;
	s7 =	sld [smem:$0x7AF]  }
0xaf: {  	[tilespmem:s1], [sflag:$0x2] =	stream.indirect.gather [hbm4b:s3+s4], $0x20, s21, s4, $0xb8;
	[tilespmem:$0x1D400] =	vst v63  }
0xb0: {  	_ = 	snop  }
0xb1: {  	[tilespmem:s23], [sflag:$0x2] =	stream.indirect.gather [hbm4b:s3+s4], $0x20, s7, s4, $0xb8;
	[tilespmem:$0x1D400] =	vst v63  }
0xb2: {  	_ =	swait.ge [sflag:s14], $0xD000  }
0xb3: {  	[sflag:s14] =	ssyncset.done $0x0  }
0xb4: {  	s20 =	simm.s32 $0x10400;
	s13 =	rddreg [dreg:$0x4];
	[sflag:s14] =	ssyncadd.s32 $0xFFFF3000  }
0xb5: {  	[hbm4b:s13+s2] =	stream.linear.scatter [tilespmem:s20], [sflag:$0x4], $0xD000, $0x38;
	[tilespmem:$0x1D400] =	vst v63  }
0xb6: {  	_ =	swait.ge [sflag:s10], $0xD000  }
0xb7: {  	s1 =	sld [smem:$0x7B0]  }
0xb8: {  	[sflag:s10] =	ssyncset.done $0x0  }
0xb9: {  	s7 =	sld [smem:$0x7B1];
	[sflag:s10] =	ssyncadd.s32 $0xFFFF3000  }
0xba: {  	[tilespmem:s16], [sflag:$0x1] =	stream.indirect.gather [hbm4b:s3+s4], $0x20, s1, s4, $0xb8;
	[tilespmem:$0x1D400] =	vst v63  }
0xbb: {  	s12 =	sld [smem:$0x7B2];
	s1 =	simm.s32 $0x4400  }
0xbc: {  	[tilespmem:s1], [sflag:$0x1] =	stream.indirect.gather [hbm4b:s3+s4], $0x20, s7, s4, $0xb8;
	[tilespmem:$0x1D400] =	vst v63  }
0xbd: {  	s19 =	simm.s32 $0x5400;
	s7 =	sld [smem:$0x7B3]  }
0xbe: {  	[tilespmem:s19], [sflag:$0x1] =	stream.indirect.gather [hbm4b:s3+s4], $0x20, s12, s4, $0xb8;
	[tilespmem:$0x1D400] =	vst v63  }
0xbf: {  	s5 =	simm.s32 $0x6400;
	s12 =	sld [smem:$0x7B4]  }
0xc0: {  	[tilespmem:s5], [sflag:$0x1] =	stream.indirect.gather [hbm4b:s3+s4], $0x20, s7, s4, $0xb8;
	[tilespmem:$0x1D400] =	vst v63  }
0xc1: {  	s19 =	sld [smem:$0x7B5];
	s7 =	simm.s32 $0x7400  }
0xc2: {  	[tilespmem:s7], [sflag:$0x1] =	stream.indirect.gather [hbm4b:s3+s4], $0x20, s12, s4, $0xb8;
	[tilespmem:$0x1D400] =	vst v63  }
0xc3: {  	s18 =	simm.s32 $0x8400;
	s5 =	sld [smem:$0x7B6]  }
0xc4: {  	[tilespmem:s18], [sflag:$0x1] =	stream.indirect.gather [hbm4b:s3+s4], $0x20, s19, s4, $0xb8;
	[tilespmem:$0x1D400] =	vst v63  }
0xc5: {  	s22 =	simm.s32 $0x9400;
	s19 =	sld [smem:$0x7B7]  }
0xc6: {  	[tilespmem:s22], [sflag:$0x1] =	stream.indirect.gather [hbm4b:s3+s4], $0x20, s5, s4, $0xb8;
	[tilespmem:$0x1D400] =	vst v63  }
0xc7: {  	s18 =	sld [smem:$0x7B8];
	s5 =	simm.s32 $0xA400  }
0xc8: {  	[tilespmem:s5], [sflag:$0x1] =	stream.indirect.gather [hbm4b:s3+s4], $0x20, s19, s4, $0xb8;
	[tilespmem:$0x1D400] =	vst v63  }
0xc9: {  	s19 =	sld [smem:$0x7B9]  }
0xca: {  	[tilespmem:s24], [sflag:$0x1] =	stream.indirect.gather [hbm4b:s3+s4], $0x20, s18, s4, $0xb8;
	[tilespmem:$0x1D400] =	vst v63  }
0xcb: {  	s22 =	sld [smem:$0x7BA]  }
0xcc: {  	[tilespmem:s26], [sflag:$0x1] =	stream.indirect.gather [hbm4b:s3+s4], $0x20, s19, s4, $0xb8;
	[tilespmem:$0x1D400] =	vst v63  }
0xcd: {  	s18 =	sld [smem:$0x7BB]  }
0xce: {  	[tilespmem:s30], [sflag:$0x1] =	stream.indirect.gather [hbm4b:s3+s4], $0x20, s22, s4, $0xb8;
	[tilespmem:$0x1D400] =	vst v63  }
0xcf: {  	s19 =	sld [smem:$0x7BC];
	s22 =	simm.s32 $0xE400  }
0xd0: {  	[tilespmem:s22], [sflag:$0x1] =	stream.indirect.gather [hbm4b:s3+s4], $0x20, s18, s4, $0xb8;
	[tilespmem:$0x1D400] =	vst v63  }
0xd1: {  	s0 =	simm.s32 $0x1  }
0xd2: {  	[tilespmem:s9], [sflag:$0x1] =	stream.indirect.gather [hbm4b:s3+s4], $0x20, s19, s4, $0xb8;
	[tilespmem:$0x1D400] =	vst v63  }
0xd3: {  	_ =	swait.ge [sflag:s0], $0xD000  }
0xd4: {  	[sflag:s0] =	ssyncset.done $0x0  }
0xd5: {  	s13 =	rddreg [dreg:$0x5];
	[sflag:s0] =	ssyncadd.s32 $0xFFFF3000  }
0xd6: {  	[hbm4b:s13+s2] =	stream.linear.scatter [tilespmem:s16], [sflag:$0x3], $0xD000, $0x38;
	[tilespmem:$0x1D400] =	vst v63  }
0xd7: {  	_ =	swait.ge [sflag:s8], $0xD000  }
0xd8: {  	s18 =	sld [smem:$0x7BD]  }
0xd9: {  	[sflag:s8] =	ssyncset.done $0x0  }
0xda: {  	s19 =	sld [smem:$0x7BE];
	[sflag:s8] =	ssyncadd.s32 $0xFFFF3000  }
0xdb: {  	[tilespmem:s20], [sflag:$0x2] =	stream.indirect.gather [hbm4b:s3+s4], $0x20, s18, s4, $0xb8;
	[tilespmem:$0x1D400] =	vst v63  }
0xdc: {  	s12 =	sld [smem:$0x7BF]  }
0xdd: {  	[tilespmem:s28], [sflag:$0x2] =	stream.indirect.gather [hbm4b:s3+s4], $0x20, s19, s4, $0xb8;
	[tilespmem:$0x1D400] =	vst v63  }
0xde: {  	s18 =	sld [smem:$0x7C0];
	s19 =	simm.s32 $0x12400  }
0xdf: {  	[tilespmem:s19], [sflag:$0x2] =	stream.indirect.gather [hbm4b:s3+s4], $0x20, s12, s4, $0xb8;
	[tilespmem:$0x1D400] =	vst v63  }
0xe0: {  	s12 =	sld [smem:$0x7C1]  }
0xe1: {  	[tilespmem:s11], [sflag:$0x2] =	stream.indirect.gather [hbm4b:s3+s4], $0x20, s18, s4, $0xb8;
	[tilespmem:$0x1D400] =	vst v63  }
0xe2: {  	s13 =	sld [smem:$0x7C2];
	s18 =	simm.s32 $0x14400  }
0xe3: {  	[tilespmem:s18], [sflag:$0x2] =	stream.indirect.gather [hbm4b:s3+s4], $0x20, s12, s4, $0xb8;
	[tilespmem:$0x1D400] =	vst v63  }
0xe4: {  	s15 =	simm.s32 $0x15400;
	s12 =	sld [smem:$0x7C3]  }
0xe5: {  	[tilespmem:s15], [sflag:$0x2] =	stream.indirect.gather [hbm4b:s3+s4], $0x20, s13, s4, $0xb8;
	[tilespmem:$0x1D400] =	vst v63  }
0xe6: {  	s13 =	sld [smem:$0x7C4]  }
0xe7: {  	[tilespmem:s6], [sflag:$0x2] =	stream.indirect.gather [hbm4b:s3+s4], $0x20, s12, s4, $0xb8;
	[tilespmem:$0x1D400] =	vst v63  }
0xe8: {  	s15 =	simm.s32 $0x17400;
	s12 =	sld [smem:$0x7C5]  }
0xe9: {  	[tilespmem:s15], [sflag:$0x2] =	stream.indirect.gather [hbm4b:s3+s4], $0x20, s13, s4, $0xb8;
	[tilespmem:$0x1D400] =	vst v63  }
0xea: {  	s17 =	simm.s32 $0x18400;
	s13 =	sld [smem:$0x7C6]  }
0xeb: {  	[tilespmem:s17], [sflag:$0x2] =	stream.indirect.gather [hbm4b:s3+s4], $0x20, s12, s4, $0xb8;
	[tilespmem:$0x1D400] =	vst v63  }
0xec: {  	s12 =	sld [smem:$0x7C7]  }
0xed: {  	[tilespmem:s29], [sflag:$0x2] =	stream.indirect.gather [hbm4b:s3+s4], $0x20, s13, s4, $0xb8;
	[tilespmem:$0x1D400] =	vst v63  }
0xee: {  	s17 =	sld [smem:$0x7C8]  }
0xef: {  	[tilespmem:s25], [sflag:$0x2] =	stream.indirect.gather [hbm4b:s3+s4], $0x20, s12, s4, $0xb8;
	[tilespmem:$0x1D400] =	vst v63  }
0xf0: {  	s21 =	simm.s32 $0x1B400;
	s12 =	sld [smem:$0x7C9]  }
0xf1: {  	[tilespmem:s21], [sflag:$0x2] =	stream.indirect.gather [hbm4b:s3+s4], $0x20, s17, s4, $0xb8;
	[tilespmem:$0x1D400] =	vst v63  }
0xf2: {  	_ = 	snop  }
0xf3: {  	[tilespmem:s23], [sflag:$0x2] =	stream.indirect.gather [hbm4b:s3+s4], $0x20, s12, s4, $0xb8;
	[tilespmem:$0x1D400] =	vst v63  }
0xf4: {  	_ =	swait.ge [sflag:s14], $0xD000  }
0xf5: {  	[sflag:s14] =	ssyncset.done $0x0  }
0xf6: {  	s21 =	rddreg [dreg:$0x6];
	[sflag:s14] =	ssyncadd.s32 $0xFFFF3000  }
0xf7: {  	[hbm4b:s21+s2] =	stream.linear.scatter [tilespmem:s20], [sflag:$0x4], $0xD000, $0x38;
	[tilespmem:$0x1D400] =	vst v63  }
0xf8: {  	_ =	swait.ge [sflag:s10], $0xD000  }
0xf9: {  	s13 =	sld [smem:$0x7CA]  }
0xfa: {  	[sflag:s10] =	ssyncset.done $0x0  }
0xfb: {  	s21 =	sld [smem:$0x7CB];
	[sflag:s10] =	ssyncadd.s32 $0xFFFF3000  }
0xfc: {  	[tilespmem:s16], [sflag:$0x1] =	stream.indirect.gather [hbm4b:s3+s4], $0x20, s13, s4, $0xb8;
	[tilespmem:$0x1D400] =	vst v63  }
0xfd: {  	s12 =	sld [smem:$0x7CC]  }
0xfe: {  	[tilespmem:s1], [sflag:$0x1] =	stream.indirect.gather [hbm4b:s3+s4], $0x20, s21, s4, $0xb8;
	[tilespmem:$0x1D400] =	vst v63  }
0xff: {  	s13 =	sld [smem:$0x7CD];
	s21 =	simm.s32 $0x5400  }
0x100: {  	[tilespmem:s21], [sflag:$0x1] =	stream.indirect.gather [hbm4b:s3+s4], $0x20, s12, s4, $0xb8;
	[tilespmem:$0x1D400] =	vst v63  }
0x101: {  	s12 =	sld [smem:$0x7CE];
	s21 =	simm.s32 $0x6400  }
0x102: {  	[tilespmem:s21], [sflag:$0x1] =	stream.indirect.gather [hbm4b:s3+s4], $0x20, s13, s4, $0xb8;
	[tilespmem:$0x1D400] =	vst v63  }
0x103: {  	s1 =	sld [smem:$0x7CF]  }
0x104: {  	[tilespmem:s7], [sflag:$0x1] =	stream.indirect.gather [hbm4b:s3+s4], $0x20, s12, s4, $0xb8;
	[tilespmem:$0x1D400] =	vst v63  }
0x105: {  	s21 =	simm.s32 $0x8400;
	s12 =	sld [smem:$0x7D0]  }
0x106: {  	[tilespmem:s21], [sflag:$0x1] =	stream.indirect.gather [hbm4b:s3+s4], $0x20, s1, s4, $0xb8;
	[tilespmem:$0x1D400] =	vst v63  }
0x107: {  	s13 =	sld [smem:$0x7D1];
	s1 =	simm.s32 $0x9400  }
0x108: {  	[tilespmem:s1], [sflag:$0x1] =	stream.indirect.gather [hbm4b:s3+s4], $0x20, s12, s4, $0xb8;
	[tilespmem:$0x1D400] =	vst v63  }
0x109: {  	s21 =	sld [smem:$0x7D2]  }
0x10a: {  	[tilespmem:s5], [sflag:$0x1] =	stream.indirect.gather [hbm4b:s3+s4], $0x20, s13, s4, $0xb8;
	[tilespmem:$0x1D400] =	vst v63  }
0x10b: {  	s1 =	sld [smem:$0x7D3]  }
0x10c: {  	[tilespmem:s24], [sflag:$0x1] =	stream.indirect.gather [hbm4b:s3+s4], $0x20, s21, s4, $0xb8;
	[tilespmem:$0x1D400] =	vst v63  }
0x10d: {  	s5 =	sld [smem:$0x7D4]  }
0x10e: {  	[tilespmem:s26], [sflag:$0x1] =	stream.indirect.gather [hbm4b:s3+s4], $0x20, s1, s4, $0xb8;
	[tilespmem:$0x1D400] =	vst v63  }
0x10f: {  	s21 =	sld [smem:$0x7D5]  }
0x110: {  	[tilespmem:s30], [sflag:$0x1] =	stream.indirect.gather [hbm4b:s3+s4], $0x20, s5, s4, $0xb8;
	[tilespmem:$0x1D400] =	vst v63  }
0x111: {  	s1 =	sld [smem:$0x7D6]  }
0x112: {  	[tilespmem:s22], [sflag:$0x1] =	stream.indirect.gather [hbm4b:s3+s4], $0x20, s21, s4, $0xb8;
	[tilespmem:$0x1D400] =	vst v63  }
0x113: {  	_ = 	snop  }
0x114: {  	[tilespmem:s9], [sflag:$0x1] =	stream.indirect.gather [hbm4b:s3+s4], $0x20, s1, s4, $0xb8;
	[tilespmem:$0x1D400] =	vst v63  }
0x115: {  	_ =	swait.ge [sflag:s0], $0xD000  }
0x116: {  	[sflag:s0] =	ssyncset.done $0x0  }
0x117: {  	s5 =	rddreg [dreg:$0x7];
	[sflag:s0] =	ssyncadd.s32 $0xFFFF3000  }
0x118: {  	[hbm4b:s5+s2] =	stream.linear.scatter [tilespmem:s16], [sflag:$0x3], $0xD000, $0x38;
	[tilespmem:$0x1D400] =	vst v63  }
0x119: {  	_ =	swait.ge [sflag:s8], $0xD000  }
0x11a: {  	s13 =	sld [smem:$0x7D7]  }
0x11b: {  	[sflag:s8] =	ssyncset.done $0x0  }
0x11c: {  	s22 =	sld [smem:$0x7D8];
	[sflag:s8] =	ssyncadd.s32 $0xFFFF3000  }
0x11d: {  	[tilespmem:s20], [sflag:$0x2] =	stream.indirect.gather [hbm4b:s3+s4], $0x20, s13, s4, $0xb8;
	[tilespmem:$0x1D400] =	vst v63  }
0x11e: {  	s1 =	sld [smem:$0x7D9]  }
0x11f: {  	[tilespmem:s28], [sflag:$0x2] =	stream.indirect.gather [hbm4b:s3+s4], $0x20, s22, s4, $0xb8;
	[tilespmem:$0x1D400] =	vst v63  }
0x120: {  	s5 =	sld [smem:$0x7DA]  }
0x121: {  	[tilespmem:s19], [sflag:$0x2] =	stream.indirect.gather [hbm4b:s3+s4], $0x20, s1, s4, $0xb8;
	[tilespmem:$0x1D400] =	vst v63  }
0x122: {  	s22 =	sld [smem:$0x7DB]  }
0x123: {  	[tilespmem:s11], [sflag:$0x2] =	stream.indirect.gather [hbm4b:s3+s4], $0x20, s5, s4, $0xb8;
	[tilespmem:$0x1D400] =	vst v63  }
0x124: {  	s1 =	sld [smem:$0x7DC]  }
0x125: {  	[tilespmem:s18], [sflag:$0x2] =	stream.indirect.gather [hbm4b:s3+s4], $0x20, s22, s4, $0xb8;
	[tilespmem:$0x1D400] =	vst v63  }
0x126: {  	s5 =	simm.s32 $0x15400;
	s22 =	sld [smem:$0x7DD]  }
0x127: {  	[tilespmem:s5], [sflag:$0x2] =	stream.indirect.gather [hbm4b:s3+s4], $0x20, s1, s4, $0xb8;
	[tilespmem:$0x1D400] =	vst v63  }
0x128: {  	s1 =	sld [smem:$0x7DE]  }
0x129: {  	[tilespmem:s6], [sflag:$0x2] =	stream.indirect.gather [hbm4b:s3+s4], $0x20, s22, s4, $0xb8;
	[tilespmem:$0x1D400] =	vst v63  }
0x12a: {  	s12 =	sld [smem:$0x7DF]  }
0x12b: {  	[tilespmem:s15], [sflag:$0x2] =	stream.indirect.gather [hbm4b:s3+s4], $0x20, s1, s4, $0xb8;
	[tilespmem:$0x1D400] =	vst v63  }
0x12c: {  	s22 =	sld [smem:$0x7E0];
	s1 =	simm.s32 $0x18400  }
0x12d: {  	[tilespmem:s1], [sflag:$0x2] =	stream.indirect.gather [hbm4b:s3+s4], $0x20, s12, s4, $0xb8;
	[tilespmem:$0x1D400] =	vst v63  }
0x12e: {  	s12 =	sld [smem:$0x7E1]  }
0x12f: {  	[tilespmem:s29], [sflag:$0x2] =	stream.indirect.gather [hbm4b:s3+s4], $0x20, s22, s4, $0xb8;
	[tilespmem:$0x1D400] =	vst v63  }
0x130: {  	s22 =	sld [smem:$0x7E2]  }
0x131: {  	[tilespmem:s25], [sflag:$0x2] =	stream.indirect.gather [hbm4b:s3+s4], $0x20, s12, s4, $0xb8;
	[tilespmem:$0x1D400] =	vst v63  }
0x132: {  	s17 =	simm.s32 $0x1B400;
	s12 =	sld [smem:$0x7E3]  }
0x133: {  	[tilespmem:s17], [sflag:$0x2] =	stream.indirect.gather [hbm4b:s3+s4], $0x20, s22, s4, $0xb8;
	[tilespmem:$0x1D400] =	vst v63  }
0x134: {  	_ = 	snop  }
0x135: {  	[tilespmem:s23], [sflag:$0x2] =	stream.indirect.gather [hbm4b:s3+s4], $0x20, s12, s4, $0xb8;
	[tilespmem:$0x1D400] =	vst v63  }
0x136: {  	_ =	swait.ge [sflag:s14], $0xD000  }
0x137: {  	[sflag:s14] =	ssyncset.done $0x0  }
0x138: {  	s13 =	rddreg [dreg:$0x8];
	[sflag:s14] =	ssyncadd.s32 $0xFFFF3000  }
0x139: {  	[hbm4b:s13+s2] =	stream.linear.scatter [tilespmem:s20], [sflag:$0x4], $0xD000, $0x38;
	[tilespmem:$0x1D400] =	vst v63  }
0x13a: {  	_ =	swait.ge [sflag:s10], $0xD000  }
0x13b: {  	s17 =	sld [smem:$0x7E4]  }
0x13c: {  	[sflag:s10] =	ssyncset.done $0x0  }
0x13d: {  	s13 =	sld [smem:$0x7E5];
	[sflag:s10] =	ssyncadd.s32 $0xFFFF3000  }
0x13e: {  	[tilespmem:s16], [sflag:$0x1] =	stream.indirect.gather [hbm4b:s3+s4], $0x20, s17, s4, $0xb8;
	[tilespmem:$0x1D400] =	vst v63  }
0x13f: {  	s12 =	sld [smem:$0x7E6];
	s17 =	simm.s32 $0x4400  }
0x140: {  	[tilespmem:s17], [sflag:$0x1] =	stream.indirect.gather [hbm4b:s3+s4], $0x20, s13, s4, $0xb8;
	[tilespmem:$0x1D400] =	vst v63  }
0x141: {  	s13 =	sld [smem:$0x7E7];
	s17 =	simm.s32 $0x5400  }
0x142: {  	[tilespmem:s17], [sflag:$0x1] =	stream.indirect.gather [hbm4b:s3+s4], $0x20, s12, s4, $0xb8;
	[tilespmem:$0x1D400] =	vst v63  }
0x143: {  	s12 =	sld [smem:$0x7E8];
	s17 =	simm.s32 $0x6400  }
0x144: {  	[tilespmem:s17], [sflag:$0x1] =	stream.indirect.gather [hbm4b:s3+s4], $0x20, s13, s4, $0xb8;
	[tilespmem:$0x1D400] =	vst v63  }
0x145: {  	s7 =	simm.s32 $0x7400;
	s13 =	sld [smem:$0x7E9]  }
0x146: {  	[tilespmem:s7], [sflag:$0x1] =	stream.indirect.gather [hbm4b:s3+s4], $0x20, s12, s4, $0xb8;
	[tilespmem:$0x1D400] =	vst v63  }
0x147: {  	s17 =	simm.s32 $0x8400;
	s12 =	sld [smem:$0x7EA]  }
0x148: {  	[tilespmem:s17], [sflag:$0x1] =	stream.indirect.gather [hbm4b:s3+s4], $0x20, s13, s4, $0xb8;
	[tilespmem:$0x1D400] =	vst v63  }
0x149: {  	s13 =	sld [smem:$0x7EB];
	s17 =	simm.s32 $0x9400  }
0x14a: {  	[tilespmem:s17], [sflag:$0x1] =	stream.indirect.gather [hbm4b:s3+s4], $0x20, s12, s4, $0xb8;
	[tilespmem:$0x1D400] =	vst v63  }
0x14b: {  	s12 =	sld [smem:$0x7EC];
	s17 =	simm.s32 $0xA400  }
0x14c: {  	[tilespmem:s17], [sflag:$0x1] =	stream.indirect.gather [hbm4b:s3+s4], $0x20, s13, s4, $0xb8;
	[tilespmem:$0x1D400] =	vst v63  }
0x14d: {  	s17 =	sld [smem:$0x7ED]  }
0x14e: {  	[tilespmem:s24], [sflag:$0x1] =	stream.indirect.gather [hbm4b:s3+s4], $0x20, s12, s4, $0xb8;
	[tilespmem:$0x1D400] =	vst v63  }
0x14f: {  	s24 =	sld [smem:$0x7EE]  }
0x150: {  	[tilespmem:s26], [sflag:$0x1] =	stream.indirect.gather [hbm4b:s3+s4], $0x20, s17, s4, $0xb8;
	[tilespmem:$0x1D400] =	vst v63  }
0x151: {  	s7 =	sld [smem:$0x7EF]  }
0x152: {  	[tilespmem:s30], [sflag:$0x1] =	stream.indirect.gather [hbm4b:s3+s4], $0x20, s24, s4, $0xb8;
	[tilespmem:$0x1D400] =	vst v63  }
0x153: {  	s21 =	simm.s32 $0xE400;
	s17 =	sld [smem:$0x7F0]  }
0x154: {  	[tilespmem:s21], [sflag:$0x1] =	stream.indirect.gather [hbm4b:s3+s4], $0x20, s7, s4, $0xb8;
	[tilespmem:$0x1D400] =	vst v63  }
0x155: {  	_ = 	snop  }
0x156: {  	[tilespmem:s9], [sflag:$0x1] =	stream.indirect.gather [hbm4b:s3+s4], $0x20, s17, s4, $0xb8;
	[tilespmem:$0x1D400] =	vst v63  }
0x157: {  	_ =	swait.ge [sflag:s0], $0xD000  }
0x158: {  	[sflag:s0] =	ssyncset.done $0x0  }
0x159: {  	s24 =	rddreg [dreg:$0x9];
	[sflag:s0] =	ssyncadd.s32 $0xFFFF3000  }
0x15a: {  	[hbm4b:s24+s2] =	stream.linear.scatter [tilespmem:s16], [sflag:$0x3], $0xD000, $0x38;
	[tilespmem:$0x1D400] =	vst v63  }
0x15b: {  	_ =	swait.ge [sflag:s8], $0xD000  }
0x15c: {  	s26 =	sld [smem:$0x7F1]  }
0x15d: {  	[sflag:s8] =	ssyncset.done $0x0  }
0x15e: {  	s30 =	sld [smem:$0x7F2];
	[sflag:s8] =	ssyncadd.s32 $0xFFFF3000  }
0x15f: {  	[tilespmem:s20], [sflag:$0x2] =	stream.indirect.gather [hbm4b:s3+s4], $0x20, s26, s4, $0xb8;
	[tilespmem:$0x1D400] =	vst v63  }
0x160: {  	s7 =	sld [smem:$0x7F3]  }
0x161: {  	[tilespmem:s28], [sflag:$0x2] =	stream.indirect.gather [hbm4b:s3+s4], $0x20, s30, s4, $0xb8;
	[tilespmem:$0x1D400] =	vst v63  }
0x162: {  	s19 =	simm.s32 $0x12400;
	s9 =	sld [smem:$0x7F4]  }
0x163: {  	[tilespmem:s19], [sflag:$0x2] =	stream.indirect.gather [hbm4b:s3+s4], $0x20, s7, s4, $0xb8;
	[tilespmem:$0x1D400] =	vst v63  }
0x164: {  	s16 =	sld [smem:$0x7F5]  }
0x165: {  	[tilespmem:s11], [sflag:$0x2] =	stream.indirect.gather [hbm4b:s3+s4], $0x20, s9, s4, $0xb8;
	[tilespmem:$0x1D400] =	vst v63  }
0x166: {  	s18 =	simm.s32 $0x14400;
	s17 =	sld [smem:$0x7F6]  }
0x167: {  	[tilespmem:s18], [sflag:$0x2] =	stream.indirect.gather [hbm4b:s3+s4], $0x20, s16, s4, $0xb8;
	[tilespmem:$0x1D400] =	vst v63  }
0x168: {  	s19 =	sld [smem:$0x7F7]  }
0x169: {  	[tilespmem:s5], [sflag:$0x2] =	stream.indirect.gather [hbm4b:s3+s4], $0x20, s17, s4, $0xb8;
	[tilespmem:$0x1D400] =	vst v63  }
0x16a: {  	s20 =	sld [smem:$0x7F8]  }
0x16b: {  	[tilespmem:s6], [sflag:$0x2] =	stream.indirect.gather [hbm4b:s3+s4], $0x20, s19, s4, $0xb8;
	[tilespmem:$0x1D400] =	vst v63  }
0x16c: {  	s15 =	simm.s32 $0x17400;
	s21 =	sld [smem:$0x7F9]  }
0x16d: {  	[tilespmem:s15], [sflag:$0x2] =	stream.indirect.gather [hbm4b:s3+s4], $0x20, s20, s4, $0xb8;
	[tilespmem:$0x1D400] =	vst v63  }
0x16e: {  	s24 =	sld [smem:$0x7FA]  }
0x16f: {  	[tilespmem:s1], [sflag:$0x2] =	stream.indirect.gather [hbm4b:s3+s4], $0x20, s21, s4, $0xb8;
	[tilespmem:$0x1D400] =	vst v63  }
0x170: {  	s26 =	sld [smem:$0x7FB]  }
0x171: {  	[tilespmem:s29], [sflag:$0x2] =	stream.indirect.gather [hbm4b:s3+s4], $0x20, s24, s4, $0xb8;
	[tilespmem:$0x1D400] =	vst v63  }
0x172: {  	s28 =	sld [smem:$0x7FC]  }
0x173: {  	[tilespmem:s25], [sflag:$0x2] =	stream.indirect.gather [hbm4b:s3+s4], $0x20, s26, s4, $0xb8;
	[tilespmem:$0x1D400] =	vst v63  }
0x174: {  	s22 =	simm.s32 $0x1B400;
	s29 =	sld [smem:$0x7FD]  }
0x175: {  	[tilespmem:s22], [sflag:$0x2] =	stream.indirect.gather [hbm4b:s3+s4], $0x20, s28, s4, $0xb8;
	[tilespmem:$0x1D400] =	vst v63  }
0x176: {  	_ = 	snop  }
0x177: {  	[tilespmem:s23], [sflag:$0x2] =	stream.indirect.gather [hbm4b:s3+s4], $0x20, s29, s4, $0xb8;
	[tilespmem:$0x1D400] =	vst v63  }
0x178: {  	_ =	swait.ge [sflag:s14], $0xD000  }
0x179: {  	p1 =	sne.s32 s31, $0x1;
	[sflag:s14] =	ssyncset.done $0x0  }
0x17a: {  	s7 =	simm.s32 $0x10400;
	s30 =	rddreg [dreg:$0xa];
	[sflag:s14] =	ssyncadd.s32 $0xFFFF3000  }
0x17b: {  	[hbm4b:s30+s2] =	stream.linear.scatter [tilespmem:s7], [sflag:$0x4], $0xD000, $0x38;
	[tilespmem:$0x1D400] =	vst v63  }
.Ltmp1:
0x17c: {  	_ =	swait.ge [sflag:s10], $0xD000;
	(pc) =	sbr.rel @!p1 .LBB2_7-.Ltmp1, $4  }
0x17d: {  	[sflag:s10] =	ssyncset.done $0x0  }
0x17e: {  	[sflag:s10] =	ssyncadd.s32 $0xFFFF3000  }
0x17f: {  	p0 =	por $0x1, $0x1;
	s12 =	sadd.s32 $0xFFFFFFFF, s31;
	_ =	swait.ge [sflag:s8], $0xD000  }
0x180: {  	s26 =	simm.s32 $0x3400;
	s13 =	rddreg [dreg:$0x3];
	[sflag:s8] =	ssyncset.done $0x0  }
0x181: {  	s20 =	simm.s32 $0x10400  }
.LBB2_4:
0x182: {  	[sflag:s8] =	ssyncadd.s32 $0xFFFF3000;
	s17 =	simm.s32 $0x5  }
0x183: {  	[tilespmem:s2], [sflag:$0x5] =	stream.linear.gather [hbm4b:s13+s2], $0x3400, $0x38;
	[tilespmem:$0x1D400] =	vst v63  }
0x184: {  	_ =	swait.ge [sflag:s17], $0x3400  }
0x185: {  	[sflag:s17] =	ssyncset.done $0x0  }
0x186: {  	[sflag:s17] =	ssyncadd.s32 $0xFFFFCC00  }
0x187: {  	[tilespmem:s26], [sflag:$0x1] =	stream.indirect.gather [hbm4b:s3+s4], $0x20, s2, s4, $0xb8;
	[tilespmem:$0x1D400] =	vst v63  }
0x188: {  	s1 =	simm.s32 $0x4400  }
0x189: {  	[tilespmem:s1], [sflag:$0x1] =	stream.indirect.gather [hbm4b:s3+s4], $0x20, s4, s4, $0xb8;
	[tilespmem:$0x1D400] =	vst v63  }
0x18a: {  	s19 =	simm.s32 $0x5400;
	s18 =	rddreg [dreg:$0xb]  }
0x18b: {  	[tilespmem:s19], [sflag:$0x1] =	stream.indirect.gather [hbm4b:s3+s4], $0x20, s18, s4, $0xb8;
	[tilespmem:$0x1D400] =	vst v63  }
0x18c: {  	s23 =	simm.s32 $0x6400;
	s15 =	rddreg [dreg:$0xc]  }
0x18d: {  	[tilespmem:s23], [sflag:$0x1] =	stream.indirect.gather [hbm4b:s3+s4], $0x20, s15, s4, $0xb8;
	[tilespmem:$0x1D400] =	vst v63  }
0x18e: {  	s25 =	simm.s32 $0x7400;
	s21 =	rddreg [dreg:$0xd]  }
0x18f: {  	[tilespmem:s25], [sflag:$0x1] =	stream.indirect.gather [hbm4b:s3+s4], $0x20, s21, s4, $0xb8;
	[tilespmem:$0x1D400] =	vst v63  }
0x190: {  	s30 =	simm.s32 $0x8400;
	s24 =	rddreg [dreg:$0xe]  }
0x191: {  	[tilespmem:s30], [sflag:$0x1] =	stream.indirect.gather [hbm4b:s3+s4], $0x20, s24, s4, $0xb8;
	[tilespmem:$0x1D400] =	vst v63  }
0x192: {  	s28 =	rddreg [dreg:$0xf];
	s2 =	simm.s32 $0x9400  }
0x193: {  	[tilespmem:s2], [sflag:$0x1] =	stream.indirect.gather [hbm4b:s3+s4], $0x20, s28, s4, $0xb8;
	[tilespmem:$0x1D400] =	vst v63  }
0x194: {  	s6 =	simm.s32 $0xA400;
	s31 =	rddreg [dreg:$0x10]  }
0x195: {  	[tilespmem:s6], [sflag:$0x1] =	stream.indirect.gather [hbm4b:s3+s4], $0x20, s31, s4, $0xb8;
	[tilespmem:$0x1D400] =	vst v63  }
0x196: {  	s10 =	simm.s32 $0xB400;
	s5 =	rddreg [dreg:$0x11]  }
0x197: {  	[tilespmem:s10], [sflag:$0x1] =	stream.indirect.gather [hbm4b:s3+s4], $0x20, s5, s4, $0xb8;
	[tilespmem:$0x1D400] =	vst v63  }
0x198: {  	s8 =	rddreg [dreg:$0x12];
	s17 =	simm.s32 $0xC400  }
0x199: {  	[tilespmem:s17], [sflag:$0x1] =	stream.indirect.gather [hbm4b:s3+s4], $0x20, s8, s4, $0xb8;
	[tilespmem:$0x1D400] =	vst v63  }
0x19a: {  	s14 =	rddreg [dreg:$0x13];
	s23 =	simm.s32 $0xD400  }
0x19b: {  	[tilespmem:s23], [sflag:$0x1] =	stream.indirect.gather [hbm4b:s3+s4], $0x20, s14, s4, $0xb8;
	[tilespmem:$0x1D400] =	vst v63  }
0x19c: {  	s19 =	rddreg [dreg:$0x14];
	s25 =	simm.s32 $0xE400  }
0x19d: {  	[tilespmem:s25], [sflag:$0x1] =	stream.indirect.gather [hbm4b:s3+s4], $0x20, s19, s4, $0xb8;
	[tilespmem:$0x1D400] =	vst v63  }
0x19e: {  	s24 =	rddreg [dreg:$0x15];
	s28 =	simm.s32 $0xF400  }
0x19f: {  	[tilespmem:s28], [sflag:$0x1] =	stream.indirect.gather [hbm4b:s3+s4], $0x20, s24, s4, $0xb8;
	[tilespmem:$0x1D400] =	vst v63  }
0x1a0: {  	_ =	swait.ge [sflag:s0], $0xD000  }
0x1a1: {  	s2 =	sld [smem:$0x7AC]  }
0x1a2: {  	[sflag:s0] =	ssyncset.done $0x0  }
0x1a3: {  	s8 =	simm.s32 $0x0;
	s1 =	rddreg [dreg:$0x16];
	[sflag:s0] =	ssyncadd.s32 $0xFFFF3000  }
0x1a4: {  	[hbm4b:s2+s8] =	stream.linear.scatter [tilespmem:s26], [sflag:$0x3], $0xD000, $0x38;
	[tilespmem:$0x1D400] =	vst v63  }
0x1a5: {  	s17 =	rddreg [dreg:$0x17]  }
0x1a6: {  	[tilespmem:s7], [sflag:$0x2] =	stream.indirect.gather [hbm4b:s3+s4], $0x20, s1, s4, $0xb8;
	[tilespmem:$0x1D400] =	vst v63  }
0x1a7: {  	s23 =	simm.s32 $0x11400;
	s19 =	rddreg [dreg:$0x18]  }
0x1a8: {  	[tilespmem:s23], [sflag:$0x2] =	stream.indirect.gather [hbm4b:s3+s4], $0x20, s17, s4, $0xb8;
	[tilespmem:$0x1D400] =	vst v63  }
0x1a9: {  	s25 =	simm.s32 $0x12400;
	s24 =	rddreg [dreg:$0x19]  }
0x1aa: {  	[tilespmem:s25], [sflag:$0x2] =	stream.indirect.gather [hbm4b:s3+s4], $0x20, s19, s4, $0xb8;
	[tilespmem:$0x1D400] =	vst v63  }
0x1ab: {  	s2 =	rddreg [dreg:$0x1a];
	s17 =	simm.s32 $0x13400  }
0x1ac: {  	[tilespmem:s17], [sflag:$0x2] =	stream.indirect.gather [hbm4b:s3+s4], $0x20, s24, s4, $0xb8;
	[tilespmem:$0x1D400] =	vst v63  }
0x1ad: {  	s7 =	rddreg [dreg:$0x1d];
	s23 =	simm.s32 $0x14400  }
0x1ae: {  	[tilespmem:s23], [sflag:$0x2] =	stream.indirect.gather [hbm4b:s3+s4], $0x20, s2, s4, $0xb8;
	[tilespmem:$0x1D400] =	vst v63  }
0x1af: {  	s19 =	rddreg [dreg:$0x1b];
	s2 =	simm.s32 $0x15400  }
0x1b0: {  	[tilespmem:s2], [sflag:$0x2] =	stream.indirect.gather [hbm4b:s3+s4], $0x20, s19, s4, $0xb8;
	[tilespmem:$0x1D400] =	vst v63  }
0x1b1: {  	s24 =	rddreg [dreg:$0x1c];
	s23 =	simm.s32 $0x16400  }
0x1b2: {  	[tilespmem:s23], [sflag:$0x2] =	stream.indirect.gather [hbm4b:s3+s4], $0x20, s24, s4, $0xb8;
	[tilespmem:$0x1D400] =	vst v63  }
0x1b3: {  	s1 =	rddreg [dreg:$0x1f];
	s24 =	simm.s32 $0x17400  }
0x1b4: {  	[tilespmem:s24], [sflag:$0x2] =	stream.indirect.gather [hbm4b:s3+s4], $0x20, s7, s4, $0xb8;
	[tilespmem:$0x1D400] =	vst v63  }
0x1b5: {  	s17 =	rddreg [dreg:$0x1e];
	s2 =	simm.s32 $0x18400  }
0x1b6: {  	[tilespmem:s2], [sflag:$0x2] =	stream.indirect.gather [hbm4b:s3+s4], $0x20, s17, s4, $0xb8;
	[tilespmem:$0x1D400] =	vst v63  }
0x1b7: {  	s7 =	sld [smem:$0x7AD];
	s17 =	simm.s32 $0x19400  }
0x1b8: {  	[tilespmem:s17], [sflag:$0x2] =	stream.indirect.gather [hbm4b:s3+s4], $0x20, s1, s4, $0xb8;
	[tilespmem:$0x1D400] =	vst v63  }
0x1b9: {  	s23 =	sld [smem:$0x7AE];
	s17 =	simm.s32 $0x1A400  }
0x1ba: {  	[tilespmem:s17], [sflag:$0x2] =	stream.indirect.gather [hbm4b:s3+s4], $0x20, s7, s4, $0xb8;
	[tilespmem:$0x1D400] =	vst v63  }
0x1bb: {  	s24 =	sld [smem:$0x7AF];
	s7 =	simm.s32 $0x1B400  }
0x1bc: {  	[tilespmem:s7], [sflag:$0x2] =	stream.indirect.gather [hbm4b:s3+s4], $0x20, s23, s4, $0xb8;
	[tilespmem:$0x1D400] =	vst v63  }
0x1bd: {  	s15 =	simm.s32 $0x1C400;
	s31 =	simm.s32 $0x2  }
0x1be: {  	[tilespmem:s15], [sflag:$0x2] =	stream.indirect.gather [hbm4b:s3+s4], $0x20, s24, s4, $0xb8;
	[tilespmem:$0x1D400] =	vst v63  }
0x1bf: {  	_ =	swait.ge [sflag:s31], $0xD000  }
0x1c0: {  	[sflag:s31] =	ssyncset.done $0x0  }
0x1c1: {  	s14 =	simm.s32 $0x3;
	s17 =	rddreg [dreg:$0x4];
	[sflag:s31] =	ssyncadd.s32 $0xFFFF3000  }
0x1c2: {  	[hbm4b:s17+s8] =	stream.linear.scatter [tilespmem:s20], [sflag:$0x4], $0xD000, $0x38;
	[tilespmem:$0x1D400] =	vst v63  }
0x1c3: {  	_ =	swait.ge [sflag:s14], $0xD000  }
0x1c4: {  	s23 =	sld [smem:$0x7B0]  }
0x1c5: {  	[sflag:s14] =	ssyncset.done $0x0  }
0x1c6: {  	s7 =	sld [smem:$0x7B1];
	[sflag:s14] =	ssyncadd.s32 $0xFFFF3000  }
0x1c7: {  	[tilespmem:s26], [sflag:$0x1] =	stream.indirect.gather [hbm4b:s3+s4], $0x20, s23, s4, $0xb8;
	[tilespmem:$0x1D400] =	vst v63  }
0x1c8: {  	s29 =	simm.s32 $0x4400;
	s17 =	sld [smem:$0x7B2]  }
0x1c9: {  	[tilespmem:s29], [sflag:$0x1] =	stream.indirect.gather [hbm4b:s3+s4], $0x20, s7, s4, $0xb8;
	[tilespmem:$0x1D400] =	vst v63  }
0x1ca: {  	s23 =	sld [smem:$0x7B3];
	s29 =	simm.s32 $0x5400  }
0x1cb: {  	[tilespmem:s29], [sflag:$0x1] =	stream.indirect.gather [hbm4b:s3+s4], $0x20, s17, s4, $0xb8;
	[tilespmem:$0x1D400] =	vst v63  }
0x1cc: {  	s22 =	simm.s32 $0x6400;
	s7 =	sld [smem:$0x7B4]  }
0x1cd: {  	[tilespmem:s22], [sflag:$0x1] =	stream.indirect.gather [hbm4b:s3+s4], $0x20, s23, s4, $0xb8;
	[tilespmem:$0x1D400] =	vst v63  }
0x1ce: {  	s21 =	simm.s32 $0x7400;
	s17 =	sld [smem:$0x7B5]  }
0x1cf: {  	[tilespmem:s21], [sflag:$0x1] =	stream.indirect.gather [hbm4b:s3+s4], $0x20, s7, s4, $0xb8;
	[tilespmem:$0x1D400] =	vst v63  }
0x1d0: {  	s18 =	simm.s32 $0x8400;
	s22 =	sld [smem:$0x7B6]  }
0x1d1: {  	[tilespmem:s18], [sflag:$0x1] =	stream.indirect.gather [hbm4b:s3+s4], $0x20, s17, s4, $0xb8;
	[tilespmem:$0x1D400] =	vst v63  }
0x1d2: {  	s11 =	simm.s32 $0x9400;
	s23 =	sld [smem:$0x7B7]  }
0x1d3: {  	[tilespmem:s11], [sflag:$0x1] =	stream.indirect.gather [hbm4b:s3+s4], $0x20, s22, s4, $0xb8;
	[tilespmem:$0x1D400] =	vst v63  }
0x1d4: {  	s9 =	simm.s32 $0xA400;
	s7 =	sld [smem:$0x7B8]  }
0x1d5: {  	[tilespmem:s9], [sflag:$0x1] =	stream.indirect.gather [hbm4b:s3+s4], $0x20, s23, s4, $0xb8;
	[tilespmem:$0x1D400] =	vst v63  }
0x1d6: {  	s6 =	simm.s32 $0xB400;
	s9 =	sld [smem:$0x7B9]  }
0x1d7: {  	[tilespmem:s6], [sflag:$0x1] =	stream.indirect.gather [hbm4b:s3+s4], $0x20, s7, s4, $0xb8;
	[tilespmem:$0x1D400] =	vst v63  }
0x1d8: {  	s16 =	simm.s32 $0xC400;
	s11 =	sld [smem:$0x7BA]  }
0x1d9: {  	[tilespmem:s16], [sflag:$0x1] =	stream.indirect.gather [hbm4b:s3+s4], $0x20, s9, s4, $0xb8;
	[tilespmem:$0x1D400] =	vst v63  }
0x1da: {  	s30 =	simm.s32 $0xD400;
	s16 =	sld [smem:$0x7BB]  }
0x1db: {  	[tilespmem:s30], [sflag:$0x1] =	stream.indirect.gather [hbm4b:s3+s4], $0x20, s11, s4, $0xb8;
	[tilespmem:$0x1D400] =	vst v63  }
0x1dc: {  	s5 =	simm.s32 $0xE400;
	s17 =	sld [smem:$0x7BC]  }
0x1dd: {  	[tilespmem:s5], [sflag:$0x1] =	stream.indirect.gather [hbm4b:s3+s4], $0x20, s16, s4, $0xb8;
	[tilespmem:$0x1D400] =	vst v63  }
0x1de: {  	s30 =	simm.s32 $0xF400  }
0x1df: {  	[tilespmem:s30], [sflag:$0x1] =	stream.indirect.gather [hbm4b:s3+s4], $0x20, s17, s4, $0xb8;
	[tilespmem:$0x1D400] =	vst v63  }
0x1e0: {  	_ =	swait.ge [sflag:s0], $0xD000  }
0x1e1: {  	[sflag:s0] =	ssyncset.done $0x0  }
0x1e2: {  	s10 =	simm.s32 $0x4;
	s6 =	rddreg [dreg:$0x5];
	[sflag:s0] =	ssyncadd.s32 $0xFFFF3000  }
0x1e3: {  	[hbm4b:s6+s8] =	stream.linear.scatter [tilespmem:s26], [sflag:$0x3], $0xD000, $0x38;
	[tilespmem:$0x1D400] =	vst v63  }
0x1e4: {  	_ =	swait.ge [sflag:s10], $0xD000  }
0x1e5: {  	s7 =	sld [smem:$0x7BD]  }
0x1e6: {  	[sflag:s10] =	ssyncset.done $0x0  }
0x1e7: {  	s9 =	sld [smem:$0x7BE];
	[sflag:s10] =	ssyncadd.s32 $0xFFFF3000  }
0x1e8: {  	[tilespmem:s20], [sflag:$0x2] =	stream.indirect.gather [hbm4b:s3+s4], $0x20, s7, s4, $0xb8;
	[tilespmem:$0x1D400] =	vst v63  }
0x1e9: {  	s28 =	simm.s32 $0x11400;
	s16 =	sld [smem:$0x7BF]  }
0x1ea: {  	[tilespmem:s28], [sflag:$0x2] =	stream.indirect.gather [hbm4b:s3+s4], $0x20, s9, s4, $0xb8;
	[tilespmem:$0x1D400] =	vst v63  }
0x1eb: {  	s25 =	simm.s32 $0x12400;
	s17 =	sld [smem:$0x7C0]  }
0x1ec: {  	[tilespmem:s25], [sflag:$0x2] =	stream.indirect.gather [hbm4b:s3+s4], $0x20, s16, s4, $0xb8;
	[tilespmem:$0x1D400] =	vst v63  }
0x1ed: {  	s28 =	sld [smem:$0x7C1];
	s25 =	simm.s32 $0x13400  }
0x1ee: {  	[tilespmem:s25], [sflag:$0x2] =	stream.indirect.gather [hbm4b:s3+s4], $0x20, s17, s4, $0xb8;
	[tilespmem:$0x1D400] =	vst v63  }
0x1ef: {  	s5 =	sld [smem:$0x7C2];
	s16 =	simm.s32 $0x14400  }
0x1f0: {  	[tilespmem:s16], [sflag:$0x2] =	stream.indirect.gather [hbm4b:s3+s4], $0x20, s28, s4, $0xb8;
	[tilespmem:$0x1D400] =	vst v63  }
0x1f1: {  	s19 =	simm.s32 $0x15400;
	s7 =	sld [smem:$0x7C3]  }
0x1f2: {  	[tilespmem:s19], [sflag:$0x2] =	stream.indirect.gather [hbm4b:s3+s4], $0x20, s5, s4, $0xb8;
	[tilespmem:$0x1D400] =	vst v63  }
0x1f3: {  	s17 =	sld [smem:$0x7C4];
	s28 =	simm.s32 $0x16400  }
0x1f4: {  	[tilespmem:s28], [sflag:$0x2] =	stream.indirect.gather [hbm4b:s3+s4], $0x20, s7, s4, $0xb8;
	[tilespmem:$0x1D400] =	vst v63  }
0x1f5: {  	s13 =	sld [smem:$0x7C5];
	s19 =	simm.s32 $0x17400  }
0x1f6: {  	[tilespmem:s19], [sflag:$0x2] =	stream.indirect.gather [hbm4b:s3+s4], $0x20, s17, s4, $0xb8;
	[tilespmem:$0x1D400] =	vst v63  }
0x1f7: {  	s7 =	sld [smem:$0x7C6];
	s17 =	simm.s32 $0x18400  }
0x1f8: {  	[tilespmem:s17], [sflag:$0x2] =	stream.indirect.gather [hbm4b:s3+s4], $0x20, s13, s4, $0xb8;
	[tilespmem:$0x1D400] =	vst v63  }
0x1f9: {  	s1 =	simm.s32 $0x19400;
	s13 =	sld [smem:$0x7C7]  }
0x1fa: {  	[tilespmem:s1], [sflag:$0x2] =	stream.indirect.gather [hbm4b:s3+s4], $0x20, s7, s4, $0xb8;
	[tilespmem:$0x1D400] =	vst v63  }
0x1fb: {  	s7 =	sld [smem:$0x7C8];
	s1 =	simm.s32 $0x1A400  }
0x1fc: {  	[tilespmem:s1], [sflag:$0x2] =	stream.indirect.gather [hbm4b:s3+s4], $0x20, s13, s4, $0xb8;
	[tilespmem:$0x1D400] =	vst v63  }
0x1fd: {  	s2 =	simm.s32 $0x1B400;
	s13 =	sld [smem:$0x7C9]  }
0x1fe: {  	[tilespmem:s2], [sflag:$0x2] =	stream.indirect.gather [hbm4b:s3+s4], $0x20, s7, s4, $0xb8;
	[tilespmem:$0x1D400] =	vst v63  }
0x1ff: {  	s24 =	simm.s32 $0x1C400  }
0x200: {  	[tilespmem:s24], [sflag:$0x2] =	stream.indirect.gather [hbm4b:s3+s4], $0x20, s13, s4, $0xb8;
	[tilespmem:$0x1D400] =	vst v63  }
0x201: {  	_ =	swait.ge [sflag:s31], $0xD000  }
0x202: {  	[sflag:s31] =	ssyncset.done $0x0  }
0x203: {  	s24 =	rddreg [dreg:$0x6];
	[sflag:s31] =	ssyncadd.s32 $0xFFFF3000  }
0x204: {  	[hbm4b:s24+s8] =	stream.linear.scatter [tilespmem:s20], [sflag:$0x4], $0xD000, $0x38;
	[tilespmem:$0x1D400] =	vst v63  }
0x205: {  	_ =	swait.ge [sflag:s14], $0xD000  }
0x206: {  	s31 =	sld [smem:$0x7CA]  }
0x207: {  	[sflag:s14] =	ssyncset.done $0x0  }
0x208: {  	s2 =	sld [smem:$0x7CB];
	[sflag:s14] =	ssyncadd.s32 $0xFFFF3000  }
0x209: {  	[tilespmem:s26], [sflag:$0x1] =	stream.indirect.gather [hbm4b:s3+s4], $0x20, s31, s4, $0xb8;
	[tilespmem:$0x1D400] =	vst v63  }
0x20a: {  	s24 =	sld [smem:$0x7CC];
	s31 =	simm.s32 $0x4400  }
0x20b: {  	[tilespmem:s31], [sflag:$0x1] =	stream.indirect.gather [hbm4b:s3+s4], $0x20, s2, s4, $0xb8;
	[tilespmem:$0x1D400] =	vst v63  }
0x20c: {  	s2 =	sld [smem:$0x7CD]  }
0x20d: {  	[tilespmem:s29], [sflag:$0x1] =	stream.indirect.gather [hbm4b:s3+s4], $0x20, s24, s4, $0xb8;
	[tilespmem:$0x1D400] =	vst v63  }
0x20e: {  	s13 =	sld [smem:$0x7CE];
	s29 =	simm.s32 $0x6400  }
0x20f: {  	[tilespmem:s29], [sflag:$0x1] =	stream.indirect.gather [hbm4b:s3+s4], $0x20, s2, s4, $0xb8;
	[tilespmem:$0x1D400] =	vst v63  }
0x210: {  	s15 =	sld [smem:$0x7CF];
	s31 =	simm.s32 $0x7400  }
0x211: {  	[tilespmem:s31], [sflag:$0x1] =	stream.indirect.gather [hbm4b:s3+s4], $0x20, s13, s4, $0xb8;
	[tilespmem:$0x1D400] =	vst v63  }
0x212: {  	s29 =	simm.s32 $0x8400;
	s13 =	sld [smem:$0x7D0]  }
0x213: {  	[tilespmem:s29], [sflag:$0x1] =	stream.indirect.gather [hbm4b:s3+s4], $0x20, s15, s4, $0xb8;
	[tilespmem:$0x1D400] =	vst v63  }
0x214: {  	s31 =	simm.s32 $0x9400;
	s15 =	sld [smem:$0x7D1]  }
0x215: {  	[tilespmem:s31], [sflag:$0x1] =	stream.indirect.gather [hbm4b:s3+s4], $0x20, s13, s4, $0xb8;
	[tilespmem:$0x1D400] =	vst v63  }
0x216: {  	s23 =	simm.s32 $0xA400;
	s2 =	sld [smem:$0x7D2]  }
0x217: {  	[tilespmem:s23], [sflag:$0x1] =	stream.indirect.gather [hbm4b:s3+s4], $0x20, s15, s4, $0xb8;
	[tilespmem:$0x1D400] =	vst v63  }
0x218: {  	s21 =	simm.s32 $0xB400;
	s31 =	sld [smem:$0x7D3]  }
0x219: {  	[tilespmem:s21], [sflag:$0x1] =	stream.indirect.gather [hbm4b:s3+s4], $0x20, s2, s4, $0xb8;
	[tilespmem:$0x1D400] =	vst v63  }
0x21a: {  	s22 =	simm.s32 $0xC400;
	s2 =	sld [smem:$0x7D4]  }
0x21b: {  	[tilespmem:s22], [sflag:$0x1] =	stream.indirect.gather [hbm4b:s3+s4], $0x20, s31, s4, $0xb8;
	[tilespmem:$0x1D400] =	vst v63  }
0x21c: {  	s11 =	simm.s32 $0xD400;
	s31 =	sld [smem:$0x7D5]  }
0x21d: {  	[tilespmem:s11], [sflag:$0x1] =	stream.indirect.gather [hbm4b:s3+s4], $0x20, s2, s4, $0xb8;
	[tilespmem:$0x1D400] =	vst v63  }
0x21e: {  	s18 =	simm.s32 $0xE400;
	s2 =	sld [smem:$0x7D6]  }
0x21f: {  	[tilespmem:s18], [sflag:$0x1] =	stream.indirect.gather [hbm4b:s3+s4], $0x20, s31, s4, $0xb8;
	[tilespmem:$0x1D400] =	vst v63  }
0x220: {  	_ = 	snop  }
0x221: {  	[tilespmem:s30], [sflag:$0x1] =	stream.indirect.gather [hbm4b:s3+s4], $0x20, s2, s4, $0xb8;
	[tilespmem:$0x1D400] =	vst v63  }
0x222: {  	_ =	swait.ge [sflag:s0], $0xD000  }
0x223: {  	[sflag:s0] =	ssyncset.done $0x0  }
0x224: {  	s31 =	rddreg [dreg:$0x7];
	[sflag:s0] =	ssyncadd.s32 $0xFFFF3000  }
0x225: {  	[hbm4b:s31+s8] =	stream.linear.scatter [tilespmem:s26], [sflag:$0x3], $0xD000, $0x38;
	[tilespmem:$0x1D400] =	vst v63  }
0x226: {  	_ =	swait.ge [sflag:s10], $0xD000  }
0x227: {  	s15 =	sld [smem:$0x7D7]  }
0x228: {  	[sflag:s10] =	ssyncset.done $0x0  }
0x229: {  	s30 =	sld [smem:$0x7D8];
	[sflag:s10] =	ssyncadd.s32 $0xFFFF3000  }
0x22a: {  	[tilespmem:s20], [sflag:$0x2] =	stream.indirect.gather [hbm4b:s3+s4], $0x20, s15, s4, $0xb8;
	[tilespmem:$0x1D400] =	vst v63  }
0x22b: {  	s9 =	simm.s32 $0x11400;
	s31 =	sld [smem:$0x7D9]  }
0x22c: {  	[tilespmem:s9], [sflag:$0x2] =	stream.indirect.gather [hbm4b:s3+s4], $0x20, s30, s4, $0xb8;
	[tilespmem:$0x1D400] =	vst v63  }
0x22d: {  	s6 =	simm.s32 $0x12400;
	s30 =	sld [smem:$0x7DA]  }
0x22e: {  	[tilespmem:s6], [sflag:$0x2] =	stream.indirect.gather [hbm4b:s3+s4], $0x20, s31, s4, $0xb8;
	[tilespmem:$0x1D400] =	vst v63  }
0x22f: {  	s31 =	sld [smem:$0x7DB]  }
0x230: {  	[tilespmem:s25], [sflag:$0x2] =	stream.indirect.gather [hbm4b:s3+s4], $0x20, s30, s4, $0xb8;
	[tilespmem:$0x1D400] =	vst v63  }
0x231: {  	s30 =	sld [smem:$0x7DC]  }
0x232: {  	[tilespmem:s16], [sflag:$0x2] =	stream.indirect.gather [hbm4b:s3+s4], $0x20, s31, s4, $0xb8;
	[tilespmem:$0x1D400] =	vst v63  }
0x233: {  	s5 =	simm.s32 $0x15400;
	s31 =	sld [smem:$0x7DD]  }
0x234: {  	[tilespmem:s5], [sflag:$0x2] =	stream.indirect.gather [hbm4b:s3+s4], $0x20, s30, s4, $0xb8;
	[tilespmem:$0x1D400] =	vst v63  }
0x235: {  	s5 =	sld [smem:$0x7DE]  }
0x236: {  	[tilespmem:s28], [sflag:$0x2] =	stream.indirect.gather [hbm4b:s3+s4], $0x20, s31, s4, $0xb8;
	[tilespmem:$0x1D400] =	vst v63  }
0x237: {  	s31 =	sld [smem:$0x7DF]  }
0x238: {  	[tilespmem:s19], [sflag:$0x2] =	stream.indirect.gather [hbm4b:s3+s4], $0x20, s5, s4, $0xb8;
	[tilespmem:$0x1D400] =	vst v63  }
0x239: {  	s5 =	sld [smem:$0x7E0]  }
0x23a: {  	[tilespmem:s17], [sflag:$0x2] =	stream.indirect.gather [hbm4b:s3+s4], $0x20, s31, s4, $0xb8;
	[tilespmem:$0x1D400] =	vst v63  }
0x23b: {  	s13 =	sld [smem:$0x7E1];
	s31 =	simm.s32 $0x19400  }
0x23c: {  	[tilespmem:s31], [sflag:$0x2] =	stream.indirect.gather [hbm4b:s3+s4], $0x20, s5, s4, $0xb8;
	[tilespmem:$0x1D400] =	vst v63  }
0x23d: {  	s5 =	sld [smem:$0x7E2]  }
0x23e: {  	[tilespmem:s1], [sflag:$0x2] =	stream.indirect.gather [hbm4b:s3+s4], $0x20, s13, s4, $0xb8;
	[tilespmem:$0x1D400] =	vst v63  }
0x23f: {  	s7 =	simm.s32 $0x1B400;
	s13 =	sld [smem:$0x7E3]  }
0x240: {  	[tilespmem:s7], [sflag:$0x2] =	stream.indirect.gather [hbm4b:s3+s4], $0x20, s5, s4, $0xb8;
	[tilespmem:$0x1D400] =	vst v63  }
0x241: {  	s14 =	simm.s32 $0x2;
	s15 =	simm.s32 $0x1C400  }
0x242: {  	[tilespmem:s15], [sflag:$0x2] =	stream.indirect.gather [hbm4b:s3+s4], $0x20, s13, s4, $0xb8;
	[tilespmem:$0x1D400] =	vst v63  }
0x243: {  	_ =	swait.ge [sflag:s14], $0xD000  }
0x244: {  	[sflag:s14] =	ssyncset.done $0x0  }
0x245: {  	s10 =	simm.s32 $0x3;
	s15 =	rddreg [dreg:$0x8];
	[sflag:s14] =	ssyncadd.s32 $0xFFFF3000  }
0x246: {  	[hbm4b:s15+s8] =	stream.linear.scatter [tilespmem:s20], [sflag:$0x4], $0xD000, $0x38;
	[tilespmem:$0x1D400] =	vst v63  }
0x247: {  	_ =	swait.ge [sflag:s10], $0xD000  }
0x248: {  	s7 =	sld [smem:$0x7E4]  }
0x249: {  	[sflag:s10] =	ssyncset.done $0x0  }
0x24a: {  	s15 =	sld [smem:$0x7E5];
	[sflag:s10] =	ssyncadd.s32 $0xFFFF3000  }
0x24b: {  	[tilespmem:s26], [sflag:$0x1] =	stream.indirect.gather [hbm4b:s3+s4], $0x20, s7, s4, $0xb8;
	[tilespmem:$0x1D400] =	vst v63  }
0x24c: {  	s13 =	sld [smem:$0x7E6];
	s7 =	simm.s32 $0x4400  }
0x24d: {  	[tilespmem:s7], [sflag:$0x1] =	stream.indirect.gather [hbm4b:s3+s4], $0x20, s15, s4, $0xb8;
	[tilespmem:$0x1D400] =	vst v63  }
0x24e: {  	s24 =	simm.s32 $0x5400;
	s7 =	sld [smem:$0x7E7]  }
0x24f: {  	[tilespmem:s24], [sflag:$0x1] =	stream.indirect.gather [hbm4b:s3+s4], $0x20, s13, s4, $0xb8;
	[tilespmem:$0x1D400] =	vst v63  }
0x250: {  	s13 =	sld [smem:$0x7E8];
	s24 =	simm.s32 $0x6400  }
0x251: {  	[tilespmem:s24], [sflag:$0x1] =	stream.indirect.gather [hbm4b:s3+s4], $0x20, s7, s4, $0xb8;
	[tilespmem:$0x1D400] =	vst v63  }
0x252: {  	s15 =	sld [smem:$0x7E9];
	s24 =	simm.s32 $0x7400  }
0x253: {  	[tilespmem:s24], [sflag:$0x1] =	stream.indirect.gather [hbm4b:s3+s4], $0x20, s13, s4, $0xb8;
	[tilespmem:$0x1D400] =	vst v63  }
0x254: {  	s13 =	sld [smem:$0x7EA];
	s24 =	simm.s32 $0x8400  }
0x255: {  	[tilespmem:s24], [sflag:$0x1] =	stream.indirect.gather [hbm4b:s3+s4], $0x20, s15, s4, $0xb8;
	[tilespmem:$0x1D400] =	vst v63  }
0x256: {  	s29 =	simm.s32 $0x9400;
	s7 =	sld [smem:$0x7EB]  }
0x257: {  	[tilespmem:s29], [sflag:$0x1] =	stream.indirect.gather [hbm4b:s3+s4], $0x20, s13, s4, $0xb8;
	[tilespmem:$0x1D400] =	vst v63  }
0x258: {  	s23 =	simm.s32 $0xA400;
	s24 =	sld [smem:$0x7EC]  }
0x259: {  	[tilespmem:s23], [sflag:$0x1] =	stream.indirect.gather [hbm4b:s3+s4], $0x20, s7, s4, $0xb8;
	[tilespmem:$0x1D400] =	vst v63  }
0x25a: {  	s21 =	simm.s32 $0xB400;
	s29 =	sld [smem:$0x7ED]  }
0x25b: {  	[tilespmem:s21], [sflag:$0x1] =	stream.indirect.gather [hbm4b:s3+s4], $0x20, s24, s4, $0xb8;
	[tilespmem:$0x1D400] =	vst v63  }
0x25c: {  	s22 =	simm.s32 $0xC400;
	s7 =	sld [smem:$0x7EE]  }
0x25d: {  	[tilespmem:s22], [sflag:$0x1] =	stream.indirect.gather [hbm4b:s3+s4], $0x20, s29, s4, $0xb8;
	[tilespmem:$0x1D400] =	vst v63  }
0x25e: {  	s11 =	simm.s32 $0xD400;
	s21 =	sld [smem:$0x7EF]  }
0x25f: {  	[tilespmem:s11], [sflag:$0x1] =	stream.indirect.gather [hbm4b:s3+s4], $0x20, s7, s4, $0xb8;
	[tilespmem:$0x1D400] =	vst v63  }
0x260: {  	s18 =	simm.s32 $0xE400;
	s22 =	sld [smem:$0x7F0]  }
0x261: {  	[tilespmem:s18], [sflag:$0x1] =	stream.indirect.gather [hbm4b:s3+s4], $0x20, s21, s4, $0xb8;
	[tilespmem:$0x1D400] =	vst v63  }
0x262: {  	s2 =	simm.s32 $0xF400  }
0x263: {  	[tilespmem:s2], [sflag:$0x1] =	stream.indirect.gather [hbm4b:s3+s4], $0x20, s22, s4, $0xb8;
	[tilespmem:$0x1D400] =	vst v63  }
0x264: {  	_ =	swait.ge [sflag:s0], $0xD000  }
0x265: {  	s8 =	simm.s32 $0x4;
	[sflag:s0] =	ssyncset.done $0x0  }
0x266: {  	s2 =	simm.s32 $0x0;
	s23 =	rddreg [dreg:$0x9];
	[sflag:s0] =	ssyncadd.s32 $0xFFFF3000  }
0x267: {  	[hbm4b:s23+s2] =	stream.linear.scatter [tilespmem:s26], [sflag:$0x3], $0xD000, $0x38;
	[tilespmem:$0x1D400] =	vst v63  }
0x268: {  	_ =	swait.ge [sflag:s8], $0xD000  }
0x269: {  	s24 =	sld [smem:$0x7F1]  }
0x26a: {  	[sflag:s8] =	ssyncset.done $0x0  }
0x26b: {  	s29 =	sld [smem:$0x7F2];
	[sflag:s8] =	ssyncadd.s32 $0xFFFF3000  }
0x26c: {  	[tilespmem:s20], [sflag:$0x2] =	stream.indirect.gather [hbm4b:s3+s4], $0x20, s24, s4, $0xb8;
	[tilespmem:$0x1D400] =	vst v63  }
0x26d: {  	s9 =	simm.s32 $0x11400;
	s7 =	sld [smem:$0x7F3]  }
0x26e: {  	[tilespmem:s9], [sflag:$0x2] =	stream.indirect.gather [hbm4b:s3+s4], $0x20, s29, s4, $0xb8;
	[tilespmem:$0x1D400] =	vst v63  }
0x26f: {  	s6 =	simm.s32 $0x12400;
	s9 =	sld [smem:$0x7F4]  }
0x270: {  	[tilespmem:s6], [sflag:$0x2] =	stream.indirect.gather [hbm4b:s3+s4], $0x20, s7, s4, $0xb8;
	[tilespmem:$0x1D400] =	vst v63  }
0x271: {  	s25 =	simm.s32 $0x13400;
	s11 =	sld [smem:$0x7F5]  }
0x272: {  	[tilespmem:s25], [sflag:$0x2] =	stream.indirect.gather [hbm4b:s3+s4], $0x20, s9, s4, $0xb8;
	[tilespmem:$0x1D400] =	vst v63  }
0x273: {  	s16 =	simm.s32 $0x14400;
	s18 =	sld [smem:$0x7F6]  }
0x274: {  	[tilespmem:s16], [sflag:$0x2] =	stream.indirect.gather [hbm4b:s3+s4], $0x20, s11, s4, $0xb8;
	[tilespmem:$0x1D400] =	vst v63  }
0x275: {  	s30 =	simm.s32 $0x15400;
	s21 =	sld [smem:$0x7F7]  }
0x276: {  	[tilespmem:s30], [sflag:$0x2] =	stream.indirect.gather [hbm4b:s3+s4], $0x20, s18, s4, $0xb8;
	[tilespmem:$0x1D400] =	vst v63  }
0x277: {  	s28 =	simm.s32 $0x16400;
	s22 =	sld [smem:$0x7F8]  }
0x278: {  	[tilespmem:s28], [sflag:$0x2] =	stream.indirect.gather [hbm4b:s3+s4], $0x20, s21, s4, $0xb8;
	[tilespmem:$0x1D400] =	vst v63  }
0x279: {  	s19 =	simm.s32 $0x17400;
	s23 =	sld [smem:$0x7F9]  }
0x27a: {  	[tilespmem:s19], [sflag:$0x2] =	stream.indirect.gather [hbm4b:s3+s4], $0x20, s22, s4, $0xb8;
	[tilespmem:$0x1D400] =	vst v63  }
0x27b: {  	s17 =	simm.s32 $0x18400;
	s24 =	sld [smem:$0x7FA]  }
0x27c: {  	[tilespmem:s17], [sflag:$0x2] =	stream.indirect.gather [hbm4b:s3+s4], $0x20, s23, s4, $0xb8;
	[tilespmem:$0x1D400] =	vst v63  }
0x27d: {  	s25 =	sld [smem:$0x7FB]  }
0x27e: {  	[tilespmem:s31], [sflag:$0x2] =	stream.indirect.gather [hbm4b:s3+s4], $0x20, s24, s4, $0xb8;
	[tilespmem:$0x1D400] =	vst v63  }
0x27f: {  	s1 =	simm.s32 $0x1A400;
	s28 =	sld [smem:$0x7FC]  }
0x280: {  	[tilespmem:s1], [sflag:$0x2] =	stream.indirect.gather [hbm4b:s3+s4], $0x20, s25, s4, $0xb8;
	[tilespmem:$0x1D400] =	vst v63  }
0x281: {  	s5 =	simm.s32 $0x1B400;
	s29 =	sld [smem:$0x7FD]  }
0x282: {  	[tilespmem:s5], [sflag:$0x2] =	stream.indirect.gather [hbm4b:s3+s4], $0x20, s28, s4, $0xb8;
	[tilespmem:$0x1D400] =	vst v63  }
0x283: {  	s30 =	simm.s32 $0x1C400  }
0x284: {  	[tilespmem:s30], [sflag:$0x2] =	stream.indirect.gather [hbm4b:s3+s4], $0x20, s29, s4, $0xb8;
	[tilespmem:$0x1D400] =	vst v63  }
0x285: {  	_ =	swait.ge [sflag:s14], $0xD000  }
0x286: {  	p1 =	sne.s32 s12, $0x1;
	[sflag:s14] =	ssyncset.done $0x0  }
0x287: {  	s7 =	simm.s32 $0x10400;
	s31 =	rddreg [dreg:$0xa];
	[sflag:s14] =	ssyncadd.s32 $0xFFFF3000  }
0x288: {  	[hbm4b:s31+s2] =	stream.linear.scatter [tilespmem:s7], [sflag:$0x4], $0xD000, $0x38;
	[tilespmem:$0x1D400] =	vst v63  }
.Ltmp2:
0x289: {  	_ =	swait.ge [sflag:s10], $0xD000;
	(pc) =	sbr.rel @p1 .LBB2_4-.Ltmp2, $4  }
0x28a: {  	[sflag:s10] =	ssyncset.done $0x0  }
0x28b: {  	[sflag:s10] =	ssyncadd.s32 $0xFFFF3000  }
0x28c: {  	_ =	swait.ge [sflag:s8], $0xD000  }
0x28d: {  	s12 =	sadd.s32 $0xFFFFFFFF, s12;
	s13 =	rddreg [dreg:$0x3];
	[sflag:s8] =	ssyncset.done $0x0  }
0x28e: {  	s15 =	sld [smem:$0x7AC];
	s23 =	simm.s32 $0x1C400;
	s24 =	simm.s32 $0xB400  }
0x28f: {  	s25 =	simm.s32 $0x1A400;
	s26 =	simm.s32 $0xC400;
	s28 =	simm.s32 $0x11400  }
0x290: {  	s29 =	simm.s32 $0x19400;
	s30 =	simm.s32 $0xD400;
	s11 =	simm.s32 $0x13400  }
0x291: {  	s6 =	simm.s32 $0x16400;
	s9 =	simm.s32 $0xF400;
	s16 =	simm.s32 $0x3400  }
.LBB2_6:
0x292: {  	[sflag:s8] =	ssyncadd.s32 @p0 $0xFFFF3000;
	s0 =	simm.s32 $0x5  }
0x293: {  	[tilespmem:s2], [sflag:$0x5] =	stream.linear.gather [hbm4b:s13+s2], $0x3400, $0x38;
	[tilespmem:$0x1D400] =	vst v63  }
0x294: {  	_ =	swait.ge [sflag:s0], $0x3400  }
0x295: {  	[sflag:s0] =	ssyncset.done $0x0  }
0x296: {  	[sflag:s0] =	ssyncadd.s32 $0xFFFFCC00  }
0x297: {  	[tilespmem:s16], [sflag:$0x1] =	stream.indirect.gather [hbm4b:s3+s4], $0x20, s2, s4, $0xb8;
	[tilespmem:$0x1D400] =	vst v63  }
0x298: {  	s16 =	simm.s32 $0x4400  }
0x299: {  	[tilespmem:s16], [sflag:$0x1] =	stream.indirect.gather [hbm4b:s3+s4], $0x20, s4, s4, $0xb8;
	[tilespmem:$0x1D400] =	vst v63  }
0x29a: {  	s17 =	simm.s32 $0x5400;
	s12 =	rddreg [dreg:$0xb]  }
0x29b: {  	[tilespmem:s17], [sflag:$0x1] =	stream.indirect.gather [hbm4b:s3+s4], $0x20, s12, s4, $0xb8;
	[tilespmem:$0x1D400] =	vst v63  }
0x29c: {  	s18 =	simm.s32 $0x6400;
	s19 =	rddreg [dreg:$0xc]  }
0x29d: {  	[tilespmem:s18], [sflag:$0x1] =	stream.indirect.gather [hbm4b:s3+s4], $0x20, s19, s4, $0xb8;
	[tilespmem:$0x1D400] =	vst v63  }
0x29e: {  	s20 =	rddreg [dreg:$0xd];
	s19 =	simm.s32 $0x7400  }
0x29f: {  	[tilespmem:s19], [sflag:$0x1] =	stream.indirect.gather [hbm4b:s3+s4], $0x20, s20, s4, $0xb8;
	[tilespmem:$0x1D400] =	vst v63  }
0x2a0: {  	s21 =	rddreg [dreg:$0xe];
	s20 =	simm.s32 $0x8400  }
0x2a1: {  	[tilespmem:s20], [sflag:$0x1] =	stream.indirect.gather [hbm4b:s3+s4], $0x20, s21, s4, $0xb8;
	[tilespmem:$0x1D400] =	vst v63  }
0x2a2: {  	s22 =	rddreg [dreg:$0xf];
	s21 =	simm.s32 $0x9400  }
0x2a3: {  	[tilespmem:s21], [sflag:$0x1] =	stream.indirect.gather [hbm4b:s3+s4], $0x20, s22, s4, $0xb8;
	[tilespmem:$0x1D400] =	vst v63  }
0x2a4: {  	s31 =	rddreg [dreg:$0x10];
	s22 =	simm.s32 $0xA400  }
0x2a5: {  	[tilespmem:s22], [sflag:$0x1] =	stream.indirect.gather [hbm4b:s3+s4], $0x20, s31, s4, $0xb8;
	[tilespmem:$0x1D400] =	vst v63  }
0x2a6: {  	s0 =	rddreg [dreg:$0x11]  }
0x2a7: {  	[tilespmem:s24], [sflag:$0x1] =	stream.indirect.gather [hbm4b:s3+s4], $0x20, s0, s4, $0xb8;
	[tilespmem:$0x1D400] =	vst v63  }
0x2a8: {  	s1 =	rddreg [dreg:$0x12]  }
0x2a9: {  	[tilespmem:s26], [sflag:$0x1] =	stream.indirect.gather [hbm4b:s3+s4], $0x20, s1, s4, $0xb8;
	[tilespmem:$0x1D400] =	vst v63  }
0x2aa: {  	s31 =	rddreg [dreg:$0x13]  }
0x2ab: {  	[tilespmem:s30], [sflag:$0x1] =	stream.indirect.gather [hbm4b:s3+s4], $0x20, s31, s4, $0xb8;
	[tilespmem:$0x1D400] =	vst v63  }
0x2ac: {  	s0 =	rddreg [dreg:$0x14];
	s1 =	simm.s32 $0xE400  }
0x2ad: {  	[tilespmem:s1], [sflag:$0x1] =	stream.indirect.gather [hbm4b:s3+s4], $0x20, s0, s4, $0xb8;
	[tilespmem:$0x1D400] =	vst v63  }
0x2ae: {  	s31 =	rddreg [dreg:$0x15]  }
0x2af: {  	[tilespmem:s9], [sflag:$0x1] =	stream.indirect.gather [hbm4b:s3+s4], $0x20, s31, s4, $0xb8;
	[tilespmem:$0x1D400] =	vst v63  }
0x2b0: {  	s31 =	simm.s32 $0x1  }
0x2b1: {  	_ =	swait.ge [sflag:s31], $0xD000  }
0x2b2: {  	[sflag:s31] =	ssyncset.done $0x0  }
0x2b3: {  	s5 =	simm.s32 $0x3400;
	s13 =	rddreg [dreg:$0x16];
	[sflag:s31] =	ssyncadd.s32 $0xFFFF3000  }
0x2b4: {  	[hbm4b:s15+s2] =	stream.linear.scatter [tilespmem:s5], [sflag:$0x3], $0xD000, $0x38;
	[tilespmem:$0x1D400] =	vst v63  }
0x2b5: {  	s0 =	rddreg [dreg:$0x18]  }
0x2b6: {  	[tilespmem:s7], [sflag:$0x2] =	stream.indirect.gather [hbm4b:s3+s4], $0x20, s13, s4, $0xb8;
	[tilespmem:$0x1D400] =	vst v63  }
0x2b7: {  	s15 =	rddreg [dreg:$0x17]  }
0x2b8: {  	[tilespmem:s28], [sflag:$0x2] =	stream.indirect.gather [hbm4b:s3+s4], $0x20, s15, s4, $0xb8;
	[tilespmem:$0x1D400] =	vst v63  }
0x2b9: {  	s9 =	simm.s32 $0x12400;
	s12 =	rddreg [dreg:$0x1c]  }
0x2ba: {  	[tilespmem:s9], [sflag:$0x2] =	stream.indirect.gather [hbm4b:s3+s4], $0x20, s0, s4, $0xb8;
	[tilespmem:$0x1D400] =	vst v63  }
0x2bb: {  	s13 =	rddreg [dreg:$0x19]  }
0x2bc: {  	[tilespmem:s11], [sflag:$0x2] =	stream.indirect.gather [hbm4b:s3+s4], $0x20, s13, s4, $0xb8;
	[tilespmem:$0x1D400] =	vst v63  }
0x2bd: {  	s15 =	rddreg [dreg:$0x1a];
	s0 =	simm.s32 $0x14400  }
0x2be: {  	[tilespmem:s0], [sflag:$0x2] =	stream.indirect.gather [hbm4b:s3+s4], $0x20, s15, s4, $0xb8;
	[tilespmem:$0x1D400] =	vst v63  }
0x2bf: {  	s13 =	rddreg [dreg:$0x1b];
	s15 =	simm.s32 $0x15400  }
0x2c0: {  	[tilespmem:s15], [sflag:$0x2] =	stream.indirect.gather [hbm4b:s3+s4], $0x20, s13, s4, $0xb8;
	[tilespmem:$0x1D400] =	vst v63  }
0x2c1: {  	s9 =	rddreg [dreg:$0x1d]  }
0x2c2: {  	[tilespmem:s6], [sflag:$0x2] =	stream.indirect.gather [hbm4b:s3+s4], $0x20, s12, s4, $0xb8;
	[tilespmem:$0x1D400] =	vst v63  }
0x2c3: {  	s15 =	simm.s32 $0x17400;
	s13 =	rddreg [dreg:$0x1f]  }
0x2c4: {  	[tilespmem:s15], [sflag:$0x2] =	stream.indirect.gather [hbm4b:s3+s4], $0x20, s9, s4, $0xb8;
	[tilespmem:$0x1D400] =	vst v63  }
0x2c5: {  	s12 =	rddreg [dreg:$0x1e];
	s15 =	simm.s32 $0x18400  }
0x2c6: {  	[tilespmem:s15], [sflag:$0x2] =	stream.indirect.gather [hbm4b:s3+s4], $0x20, s12, s4, $0xb8;
	[tilespmem:$0x1D400] =	vst v63  }
0x2c7: {  	s15 =	sld [smem:$0x7AD]  }
0x2c8: {  	[tilespmem:s29], [sflag:$0x2] =	stream.indirect.gather [hbm4b:s3+s4], $0x20, s13, s4, $0xb8;
	[tilespmem:$0x1D400] =	vst v63  }
0x2c9: {  	s13 =	sld [smem:$0x7AE]  }
0x2ca: {  	[tilespmem:s25], [sflag:$0x2] =	stream.indirect.gather [hbm4b:s3+s4], $0x20, s15, s4, $0xb8;
	[tilespmem:$0x1D400] =	vst v63  }
0x2cb: {  	s12 =	sld [smem:$0x7AF];
	s15 =	simm.s32 $0x1B400  }
0x2cc: {  	[tilespmem:s15], [sflag:$0x2] =	stream.indirect.gather [hbm4b:s3+s4], $0x20, s13, s4, $0xb8;
	[tilespmem:$0x1D400] =	vst v63  }
0x2cd: {  	_ = 	snop  }
0x2ce: {  	[tilespmem:s23], [sflag:$0x2] =	stream.indirect.gather [hbm4b:s3+s4], $0x20, s12, s4, $0xb8;
	[tilespmem:$0x1D400] =	vst v63  }
0x2cf: {  	_ =	swait.ge [sflag:s14], $0xD000  }
0x2d0: {  	[sflag:s14] =	ssyncset.done $0x0  }
0x2d1: {  	s13 =	rddreg [dreg:$0x4];
	[sflag:s14] =	ssyncadd.s32 $0xFFFF3000  }
0x2d2: {  	[hbm4b:s13+s2] =	stream.linear.scatter [tilespmem:s7], [sflag:$0x4], $0xD000, $0x38;
	[tilespmem:$0x1D400] =	vst v63  }
0x2d3: {  	_ =	swait.ge [sflag:s10], $0xD000  }
0x2d4: {  	s12 =	sld [smem:$0x7B0]  }
0x2d5: {  	[sflag:s10] =	ssyncset.done $0x0  }
0x2d6: {  	s13 =	sld [smem:$0x7B1];
	[sflag:s10] =	ssyncadd.s32 $0xFFFF3000  }
0x2d7: {  	[tilespmem:s5], [sflag:$0x1] =	stream.indirect.gather [hbm4b:s3+s4], $0x20, s12, s4, $0xb8;
	[tilespmem:$0x1D400] =	vst v63  }
0x2d8: {  	s12 =	sld [smem:$0x7B2]  }
0x2d9: {  	[tilespmem:s16], [sflag:$0x1] =	stream.indirect.gather [hbm4b:s3+s4], $0x20, s13, s4, $0xb8;
	[tilespmem:$0x1D400] =	vst v63  }
0x2da: {  	s13 =	sld [smem:$0x7B3]  }
0x2db: {  	[tilespmem:s17], [sflag:$0x1] =	stream.indirect.gather [hbm4b:s3+s4], $0x20, s12, s4, $0xb8;
	[tilespmem:$0x1D400] =	vst v63  }
0x2dc: {  	s12 =	sld [smem:$0x7B4]  }
0x2dd: {  	[tilespmem:s18], [sflag:$0x1] =	stream.indirect.gather [hbm4b:s3+s4], $0x20, s13, s4, $0xb8;
	[tilespmem:$0x1D400] =	vst v63  }
0x2de: {  	s13 =	sld [smem:$0x7B5]  }
0x2df: {  	[tilespmem:s19], [sflag:$0x1] =	stream.indirect.gather [hbm4b:s3+s4], $0x20, s12, s4, $0xb8;
	[tilespmem:$0x1D400] =	vst v63  }
0x2e0: {  	s12 =	sld [smem:$0x7B6]  }
0x2e1: {  	[tilespmem:s20], [sflag:$0x1] =	stream.indirect.gather [hbm4b:s3+s4], $0x20, s13, s4, $0xb8;
	[tilespmem:$0x1D400] =	vst v63  }
0x2e2: {  	s13 =	sld [smem:$0x7B7]  }
0x2e3: {  	[tilespmem:s21], [sflag:$0x1] =	stream.indirect.gather [hbm4b:s3+s4], $0x20, s12, s4, $0xb8;
	[tilespmem:$0x1D400] =	vst v63  }
0x2e4: {  	s12 =	sld [smem:$0x7B8]  }
0x2e5: {  	[tilespmem:s22], [sflag:$0x1] =	stream.indirect.gather [hbm4b:s3+s4], $0x20, s13, s4, $0xb8;
	[tilespmem:$0x1D400] =	vst v63  }
0x2e6: {  	s13 =	sld [smem:$0x7B9]  }
0x2e7: {  	[tilespmem:s24], [sflag:$0x1] =	stream.indirect.gather [hbm4b:s3+s4], $0x20, s12, s4, $0xb8;
	[tilespmem:$0x1D400] =	vst v63  }
0x2e8: {  	s12 =	sld [smem:$0x7BA]  }
0x2e9: {  	[tilespmem:s26], [sflag:$0x1] =	stream.indirect.gather [hbm4b:s3+s4], $0x20, s13, s4, $0xb8;
	[tilespmem:$0x1D400] =	vst v63  }
0x2ea: {  	s13 =	sld [smem:$0x7BB]  }
0x2eb: {  	[tilespmem:s30], [sflag:$0x1] =	stream.indirect.gather [hbm4b:s3+s4], $0x20, s12, s4, $0xb8;
	[tilespmem:$0x1D400] =	vst v63  }
0x2ec: {  	s1 =	simm.s32 $0xE400;
	s12 =	sld [smem:$0x7BC]  }
0x2ed: {  	[tilespmem:s1], [sflag:$0x1] =	stream.indirect.gather [hbm4b:s3+s4], $0x20, s13, s4, $0xb8;
	[tilespmem:$0x1D400] =	vst v63  }
0x2ee: {  	s6 =	simm.s32 $0xF400  }
0x2ef: {  	[tilespmem:s6], [sflag:$0x1] =	stream.indirect.gather [hbm4b:s3+s4], $0x20, s12, s4, $0xb8;
	[tilespmem:$0x1D400] =	vst v63  }
0x2f0: {  	_ =	swait.ge [sflag:s31], $0xD000  }
0x2f1: {  	[sflag:s31] =	ssyncset.done $0x0  }
0x2f2: {  	s6 =	rddreg [dreg:$0x5];
	[sflag:s31] =	ssyncadd.s32 $0xFFFF3000  }
0x2f3: {  	[hbm4b:s6+s2] =	stream.linear.scatter [tilespmem:s5], [sflag:$0x3], $0xD000, $0x38;
	[tilespmem:$0x1D400] =	vst v63  }
0x2f4: {  	_ =	swait.ge [sflag:s8], $0xD000  }
0x2f5: {  	s13 =	sld [smem:$0x7BD]  }
0x2f6: {  	[sflag:s8] =	ssyncset.done $0x0  }
0x2f7: {  	s1 =	sld [smem:$0x7BE];
	[sflag:s8] =	ssyncadd.s32 $0xFFFF3000  }
0x2f8: {  	[tilespmem:s7], [sflag:$0x2] =	stream.indirect.gather [hbm4b:s3+s4], $0x20, s13, s4, $0xb8;
	[tilespmem:$0x1D400] =	vst v63  }
0x2f9: {  	s12 =	sld [smem:$0x7BF]  }
0x2fa: {  	[tilespmem:s28], [sflag:$0x2] =	stream.indirect.gather [hbm4b:s3+s4], $0x20, s1, s4, $0xb8;
	[tilespmem:$0x1D400] =	vst v63  }
0x2fb: {  	s6 =	sld [smem:$0x7C0];
	s1 =	simm.s32 $0x12400  }
0x2fc: {  	[tilespmem:s1], [sflag:$0x2] =	stream.indirect.gather [hbm4b:s3+s4], $0x20, s12, s4, $0xb8;
	[tilespmem:$0x1D400] =	vst v63  }
0x2fd: {  	s12 =	sld [smem:$0x7C1]  }
0x2fe: {  	[tilespmem:s11], [sflag:$0x2] =	stream.indirect.gather [hbm4b:s3+s4], $0x20, s6, s4, $0xb8;
	[tilespmem:$0x1D400] =	vst v63  }
0x2ff: {  	s0 =	simm.s32 $0x14400;
	s6 =	sld [smem:$0x7C2]  }
0x300: {  	[tilespmem:s0], [sflag:$0x2] =	stream.indirect.gather [hbm4b:s3+s4], $0x20, s12, s4, $0xb8;
	[tilespmem:$0x1D400] =	vst v63  }
0x301: {  	s12 =	sld [smem:$0x7C3];
	s0 =	simm.s32 $0x15400  }
0x302: {  	[tilespmem:s0], [sflag:$0x2] =	stream.indirect.gather [hbm4b:s3+s4], $0x20, s6, s4, $0xb8;
	[tilespmem:$0x1D400] =	vst v63  }
0x303: {  	s13 =	sld [smem:$0x7C4];
	s6 =	simm.s32 $0x16400  }
0x304: {  	[tilespmem:s6], [sflag:$0x2] =	stream.indirect.gather [hbm4b:s3+s4], $0x20, s12, s4, $0xb8;
	[tilespmem:$0x1D400] =	vst v63  }
0x305: {  	s9 =	simm.s32 $0x17400;
	s12 =	sld [smem:$0x7C5]  }
0x306: {  	[tilespmem:s9], [sflag:$0x2] =	stream.indirect.gather [hbm4b:s3+s4], $0x20, s13, s4, $0xb8;
	[tilespmem:$0x1D400] =	vst v63  }
0x307: {  	s13 =	sld [smem:$0x7C6];
	s9 =	simm.s32 $0x18400  }
0x308: {  	[tilespmem:s9], [sflag:$0x2] =	stream.indirect.gather [hbm4b:s3+s4], $0x20, s12, s4, $0xb8;
	[tilespmem:$0x1D400] =	vst v63  }
0x309: {  	s9 =	sld [smem:$0x7C7]  }
0x30a: {  	[tilespmem:s29], [sflag:$0x2] =	stream.indirect.gather [hbm4b:s3+s4], $0x20, s13, s4, $0xb8;
	[tilespmem:$0x1D400] =	vst v63  }
0x30b: {  	s13 =	sld [smem:$0x7C8]  }
0x30c: {  	[tilespmem:s25], [sflag:$0x2] =	stream.indirect.gather [hbm4b:s3+s4], $0x20, s9, s4, $0xb8;
	[tilespmem:$0x1D400] =	vst v63  }
0x30d: {  	s9 =	sld [smem:$0x7C9]  }
0x30e: {  	[tilespmem:s15], [sflag:$0x2] =	stream.indirect.gather [hbm4b:s3+s4], $0x20, s13, s4, $0xb8;
	[tilespmem:$0x1D400] =	vst v63  }
0x30f: {  	_ = 	snop  }
0x310: {  	[tilespmem:s23], [sflag:$0x2] =	stream.indirect.gather [hbm4b:s3+s4], $0x20, s9, s4, $0xb8;
	[tilespmem:$0x1D400] =	vst v63  }
0x311: {  	_ =	swait.ge [sflag:s14], $0xD000  }
0x312: {  	[sflag:s14] =	ssyncset.done $0x0  }
0x313: {  	s13 =	rddreg [dreg:$0x6];
	[sflag:s14] =	ssyncadd.s32 $0xFFFF3000  }
0x314: {  	[hbm4b:s13+s2] =	stream.linear.scatter [tilespmem:s7], [sflag:$0x4], $0xD000, $0x38;
	[tilespmem:$0x1D400] =	vst v63  }
0x315: {  	_ =	swait.ge [sflag:s10], $0xD000  }
0x316: {  	s9 =	sld [smem:$0x7CA]  }
0x317: {  	[sflag:s10] =	ssyncset.done $0x0  }
0x318: {  	s13 =	sld [smem:$0x7CB];
	[sflag:s10] =	ssyncadd.s32 $0xFFFF3000  }
0x319: {  	[tilespmem:s5], [sflag:$0x1] =	stream.indirect.gather [hbm4b:s3+s4], $0x20, s9, s4, $0xb8;
	[tilespmem:$0x1D400] =	vst v63  }
0x31a: {  	s9 =	sld [smem:$0x7CC]  }
0x31b: {  	[tilespmem:s16], [sflag:$0x1] =	stream.indirect.gather [hbm4b:s3+s4], $0x20, s13, s4, $0xb8;
	[tilespmem:$0x1D400] =	vst v63  }
0x31c: {  	s13 =	sld [smem:$0x7CD]  }
0x31d: {  	[tilespmem:s17], [sflag:$0x1] =	stream.indirect.gather [hbm4b:s3+s4], $0x20, s9, s4, $0xb8;
	[tilespmem:$0x1D400] =	vst v63  }
0x31e: {  	s9 =	sld [smem:$0x7CE]  }
0x31f: {  	[tilespmem:s18], [sflag:$0x1] =	stream.indirect.gather [hbm4b:s3+s4], $0x20, s13, s4, $0xb8;
	[tilespmem:$0x1D400] =	vst v63  }
0x320: {  	s13 =	sld [smem:$0x7CF]  }
0x321: {  	[tilespmem:s19], [sflag:$0x1] =	stream.indirect.gather [hbm4b:s3+s4], $0x20, s9, s4, $0xb8;
	[tilespmem:$0x1D400] =	vst v63  }
0x322: {  	s9 =	sld [smem:$0x7D0]  }
0x323: {  	[tilespmem:s20], [sflag:$0x1] =	stream.indirect.gather [hbm4b:s3+s4], $0x20, s13, s4, $0xb8;
	[tilespmem:$0x1D400] =	vst v63  }
0x324: {  	s13 =	sld [smem:$0x7D1]  }
0x325: {  	[tilespmem:s21], [sflag:$0x1] =	stream.indirect.gather [hbm4b:s3+s4], $0x20, s9, s4, $0xb8;
	[tilespmem:$0x1D400] =	vst v63  }
0x326: {  	s9 =	sld [smem:$0x7D2]  }
0x327: {  	[tilespmem:s22], [sflag:$0x1] =	stream.indirect.gather [hbm4b:s3+s4], $0x20, s13, s4, $0xb8;
	[tilespmem:$0x1D400] =	vst v63  }
0x328: {  	s13 =	sld [smem:$0x7D3]  }
0x329: {  	[tilespmem:s24], [sflag:$0x1] =	stream.indirect.gather [hbm4b:s3+s4], $0x20, s9, s4, $0xb8;
	[tilespmem:$0x1D400] =	vst v63  }
0x32a: {  	s9 =	sld [smem:$0x7D4]  }
0x32b: {  	[tilespmem:s26], [sflag:$0x1] =	stream.indirect.gather [hbm4b:s3+s4], $0x20, s13, s4, $0xb8;
	[tilespmem:$0x1D400] =	vst v63  }
0x32c: {  	s13 =	sld [smem:$0x7D5]  }
0x32d: {  	[tilespmem:s30], [sflag:$0x1] =	stream.indirect.gather [hbm4b:s3+s4], $0x20, s9, s4, $0xb8;
	[tilespmem:$0x1D400] =	vst v63  }
0x32e: {  	s12 =	sld [smem:$0x7D6];
	s9 =	simm.s32 $0xE400  }
0x32f: {  	[tilespmem:s9], [sflag:$0x1] =	stream.indirect.gather [hbm4b:s3+s4], $0x20, s13, s4, $0xb8;
	[tilespmem:$0x1D400] =	vst v63  }
0x330: {  	s13 =	simm.s32 $0xF400  }
0x331: {  	[tilespmem:s13], [sflag:$0x1] =	stream.indirect.gather [hbm4b:s3+s4], $0x20, s12, s4, $0xb8;
	[tilespmem:$0x1D400] =	vst v63  }
0x332: {  	_ =	swait.ge [sflag:s31], $0xD000  }
0x333: {  	[sflag:s31] =	ssyncset.done $0x0  }
0x334: {  	s9 =	rddreg [dreg:$0x7];
	[sflag:s31] =	ssyncadd.s32 $0xFFFF3000  }
0x335: {  	[hbm4b:s9+s2] =	stream.linear.scatter [tilespmem:s5], [sflag:$0x3], $0xD000, $0x38;
	[tilespmem:$0x1D400] =	vst v63  }
0x336: {  	_ =	swait.ge [sflag:s8], $0xD000  }
0x337: {  	s13 =	sld [smem:$0x7D7]  }
0x338: {  	[sflag:s8] =	ssyncset.done $0x0  }
0x339: {  	s9 =	sld [smem:$0x7D8];
	[sflag:s8] =	ssyncadd.s32 $0xFFFF3000  }
0x33a: {  	[tilespmem:s7], [sflag:$0x2] =	stream.indirect.gather [hbm4b:s3+s4], $0x20, s13, s4, $0xb8;
	[tilespmem:$0x1D400] =	vst v63  }
0x33b: {  	s12 =	sld [smem:$0x7D9]  }
0x33c: {  	[tilespmem:s28], [sflag:$0x2] =	stream.indirect.gather [hbm4b:s3+s4], $0x20, s9, s4, $0xb8;
	[tilespmem:$0x1D400] =	vst v63  }
0x33d: {  	s9 =	sld [smem:$0x7DA]  }
0x33e: {  	[tilespmem:s1], [sflag:$0x2] =	stream.indirect.gather [hbm4b:s3+s4], $0x20, s12, s4, $0xb8;
	[tilespmem:$0x1D400] =	vst v63  }
0x33f: {  	s1 =	sld [smem:$0x7DB]  }
0x340: {  	[tilespmem:s11], [sflag:$0x2] =	stream.indirect.gather [hbm4b:s3+s4], $0x20, s9, s4, $0xb8;
	[tilespmem:$0x1D400] =	vst v63  }
0x341: {  	s13 =	sld [smem:$0x7DC];
	s9 =	simm.s32 $0x14400  }
0x342: {  	[tilespmem:s9], [sflag:$0x2] =	stream.indirect.gather [hbm4b:s3+s4], $0x20, s1, s4, $0xb8;
	[tilespmem:$0x1D400] =	vst v63  }
0x343: {  	s9 =	sld [smem:$0x7DD]  }
0x344: {  	[tilespmem:s0], [sflag:$0x2] =	stream.indirect.gather [hbm4b:s3+s4], $0x20, s13, s4, $0xb8;
	[tilespmem:$0x1D400] =	vst v63  }
0x345: {  	s1 =	sld [smem:$0x7DE]  }
0x346: {  	[tilespmem:s6], [sflag:$0x2] =	stream.indirect.gather [hbm4b:s3+s4], $0x20, s9, s4, $0xb8;
	[tilespmem:$0x1D400] =	vst v63  }
0x347: {  	s6 =	sld [smem:$0x7DF];
	s9 =	simm.s32 $0x17400  }
0x348: {  	[tilespmem:s9], [sflag:$0x2] =	stream.indirect.gather [hbm4b:s3+s4], $0x20, s1, s4, $0xb8;
	[tilespmem:$0x1D400] =	vst v63  }
0x349: {  	s13 =	sld [smem:$0x7E0];
	s1 =	simm.s32 $0x18400  }
0x34a: {  	[tilespmem:s1], [sflag:$0x2] =	stream.indirect.gather [hbm4b:s3+s4], $0x20, s6, s4, $0xb8;
	[tilespmem:$0x1D400] =	vst v63  }
0x34b: {  	s1 =	sld [smem:$0x7E1]  }
0x34c: {  	[tilespmem:s29], [sflag:$0x2] =	stream.indirect.gather [hbm4b:s3+s4], $0x20, s13, s4, $0xb8;
	[tilespmem:$0x1D400] =	vst v63  }
0x34d: {  	s6 =	sld [smem:$0x7E2]  }
0x34e: {  	[tilespmem:s25], [sflag:$0x2] =	stream.indirect.gather [hbm4b:s3+s4], $0x20, s1, s4, $0xb8;
	[tilespmem:$0x1D400] =	vst v63  }
0x34f: {  	s1 =	sld [smem:$0x7E3]  }
0x350: {  	[tilespmem:s15], [sflag:$0x2] =	stream.indirect.gather [hbm4b:s3+s4], $0x20, s6, s4, $0xb8;
	[tilespmem:$0x1D400] =	vst v63  }
0x351: {  	_ = 	snop  }
0x352: {  	[tilespmem:s23], [sflag:$0x2] =	stream.indirect.gather [hbm4b:s3+s4], $0x20, s1, s4, $0xb8;
	[tilespmem:$0x1D400] =	vst v63  }
0x353: {  	_ =	swait.ge [sflag:s14], $0xD000  }
0x354: {  	[sflag:s14] =	ssyncset.done $0x0  }
0x355: {  	s6 =	rddreg [dreg:$0x8];
	[sflag:s14] =	ssyncadd.s32 $0xFFFF3000  }
0x356: {  	[hbm4b:s6+s2] =	stream.linear.scatter [tilespmem:s7], [sflag:$0x4], $0xD000, $0x38;
	[tilespmem:$0x1D400] =	vst v63  }
0x357: {  	_ =	swait.ge [sflag:s10], $0xD000  }
0x358: {  	s13 =	sld [smem:$0x7E4]  }
0x359: {  	[sflag:s10] =	ssyncset.done $0x0  }
0x35a: {  	s1 =	sld [smem:$0x7E5];
	[sflag:s10] =	ssyncadd.s32 $0xFFFF3000  }
0x35b: {  	[tilespmem:s5], [sflag:$0x1] =	stream.indirect.gather [hbm4b:s3+s4], $0x20, s13, s4, $0xb8;
	[tilespmem:$0x1D400] =	vst v63  }
0x35c: {  	s6 =	sld [smem:$0x7E6]  }
0x35d: {  	[tilespmem:s16], [sflag:$0x1] =	stream.indirect.gather [hbm4b:s3+s4], $0x20, s1, s4, $0xb8;
	[tilespmem:$0x1D400] =	vst v63  }
0x35e: {  	s16 =	sld [smem:$0x7E7]  }
0x35f: {  	[tilespmem:s17], [sflag:$0x1] =	stream.indirect.gather [hbm4b:s3+s4], $0x20, s6, s4, $0xb8;
	[tilespmem:$0x1D400] =	vst v63  }
0x360: {  	s17 =	sld [smem:$0x7E8]  }
0x361: {  	[tilespmem:s18], [sflag:$0x1] =	stream.indirect.gather [hbm4b:s3+s4], $0x20, s16, s4, $0xb8;
	[tilespmem:$0x1D400] =	vst v63  }
0x362: {  	s18 =	sld [smem:$0x7E9]  }
0x363: {  	[tilespmem:s19], [sflag:$0x1] =	stream.indirect.gather [hbm4b:s3+s4], $0x20, s17, s4, $0xb8;
	[tilespmem:$0x1D400] =	vst v63  }
0x364: {  	s19 =	sld [smem:$0x7EA]  }
0x365: {  	[tilespmem:s20], [sflag:$0x1] =	stream.indirect.gather [hbm4b:s3+s4], $0x20, s18, s4, $0xb8;
	[tilespmem:$0x1D400] =	vst v63  }
0x366: {  	s1 =	sld [smem:$0x7EB]  }
0x367: {  	[tilespmem:s21], [sflag:$0x1] =	stream.indirect.gather [hbm4b:s3+s4], $0x20, s19, s4, $0xb8;
	[tilespmem:$0x1D400] =	vst v63  }
0x368: {  	s6 =	sld [smem:$0x7EC]  }
0x369: {  	[tilespmem:s22], [sflag:$0x1] =	stream.indirect.gather [hbm4b:s3+s4], $0x20, s1, s4, $0xb8;
	[tilespmem:$0x1D400] =	vst v63  }
0x36a: {  	s16 =	sld [smem:$0x7ED]  }
0x36b: {  	[tilespmem:s24], [sflag:$0x1] =	stream.indirect.gather [hbm4b:s3+s4], $0x20, s6, s4, $0xb8;
	[tilespmem:$0x1D400] =	vst v63  }
0x36c: {  	s17 =	sld [smem:$0x7EE]  }
0x36d: {  	[tilespmem:s26], [sflag:$0x1] =	stream.indirect.gather [hbm4b:s3+s4], $0x20, s16, s4, $0xb8;
	[tilespmem:$0x1D400] =	vst v63  }
0x36e: {  	s18 =	sld [smem:$0x7EF]  }
0x36f: {  	[tilespmem:s30], [sflag:$0x1] =	stream.indirect.gather [hbm4b:s3+s4], $0x20, s17, s4, $0xb8;
	[tilespmem:$0x1D400] =	vst v63  }
0x370: {  	s20 =	simm.s32 $0xE400;
	s19 =	sld [smem:$0x7F0]  }
0x371: {  	[tilespmem:s20], [sflag:$0x1] =	stream.indirect.gather [hbm4b:s3+s4], $0x20, s18, s4, $0xb8;
	[tilespmem:$0x1D400] =	vst v63  }
0x372: {  	s21 =	simm.s32 $0xF400  }
0x373: {  	[tilespmem:s21], [sflag:$0x1] =	stream.indirect.gather [hbm4b:s3+s4], $0x20, s19, s4, $0xb8;
	[tilespmem:$0x1D400] =	vst v63  }
0x374: {  	_ =	swait.ge [sflag:s31], $0xD000  }
0x375: {  	[sflag:s31] =	ssyncset.done $0x0  }
0x376: {  	s22 =	rddreg [dreg:$0x9];
	[sflag:s31] =	ssyncadd.s32 $0xFFFF3000  }
0x377: {  	[hbm4b:s22+s2] =	stream.linear.scatter [tilespmem:s5], [sflag:$0x3], $0xD000, $0x38;
	[tilespmem:$0x1D400] =	vst v63  }
0x378: {  	_ =	swait.ge [sflag:s8], $0xD000  }
0x379: {  	s24 =	sld [smem:$0x7F1]  }
0x37a: {  	[sflag:s8] =	ssyncset.done $0x0  }
0x37b: {  	s26 =	sld [smem:$0x7F2];
	[sflag:s8] =	ssyncadd.s32 $0xFFFF3000  }
0x37c: {  	[tilespmem:s7], [sflag:$0x2] =	stream.indirect.gather [hbm4b:s3+s4], $0x20, s24, s4, $0xb8;
	[tilespmem:$0x1D400] =	vst v63  }
0x37d: {  	s30 =	sld [smem:$0x7F3]  }
0x37e: {  	[tilespmem:s28], [sflag:$0x2] =	stream.indirect.gather [hbm4b:s3+s4], $0x20, s26, s4, $0xb8;
	[tilespmem:$0x1D400] =	vst v63  }
0x37f: {  	s12 =	simm.s32 $0x12400;
	s31 =	sld [smem:$0x7F4]  }
0x380: {  	[tilespmem:s12], [sflag:$0x2] =	stream.indirect.gather [hbm4b:s3+s4], $0x20, s30, s4, $0xb8;
	[tilespmem:$0x1D400] =	vst v63  }
0x381: {  	s13 =	sld [smem:$0x7F5]  }
0x382: {  	[tilespmem:s11], [sflag:$0x2] =	stream.indirect.gather [hbm4b:s3+s4], $0x20, s31, s4, $0xb8;
	[tilespmem:$0x1D400] =	vst v63  }
0x383: {  	s17 =	simm.s32 $0x14400;
	s16 =	sld [smem:$0x7F6]  }
0x384: {  	[tilespmem:s17], [sflag:$0x2] =	stream.indirect.gather [hbm4b:s3+s4], $0x20, s13, s4, $0xb8;
	[tilespmem:$0x1D400] =	vst v63  }
0x385: {  	s0 =	simm.s32 $0x15400;
	s18 =	sld [smem:$0x7F7]  }
0x386: {  	[tilespmem:s0], [sflag:$0x2] =	stream.indirect.gather [hbm4b:s3+s4], $0x20, s16, s4, $0xb8;
	[tilespmem:$0x1D400] =	vst v63  }
0x387: {  	s20 =	simm.s32 $0x16400;
	s19 =	sld [smem:$0x7F8]  }
0x388: {  	[tilespmem:s20], [sflag:$0x2] =	stream.indirect.gather [hbm4b:s3+s4], $0x20, s18, s4, $0xb8;
	[tilespmem:$0x1D400] =	vst v63  }
0x389: {  	s21 =	sld [smem:$0x7F9]  }
0x38a: {  	[tilespmem:s9], [sflag:$0x2] =	stream.indirect.gather [hbm4b:s3+s4], $0x20, s19, s4, $0xb8;
	[tilespmem:$0x1D400] =	vst v63  }
0x38b: {  	s22 =	sld [smem:$0x7FA];
	s24 =	simm.s32 $0x18400  }
0x38c: {  	[tilespmem:s24], [sflag:$0x2] =	stream.indirect.gather [hbm4b:s3+s4], $0x20, s21, s4, $0xb8;
	[tilespmem:$0x1D400] =	vst v63  }
0x38d: {  	s26 =	sld [smem:$0x7FB]  }
0x38e: {  	[tilespmem:s29], [sflag:$0x2] =	stream.indirect.gather [hbm4b:s3+s4], $0x20, s22, s4, $0xb8;
	[tilespmem:$0x1D400] =	vst v63  }
0x38f: {  	s28 =	sld [smem:$0x7FC]  }
0x390: {  	[tilespmem:s25], [sflag:$0x2] =	stream.indirect.gather [hbm4b:s3+s4], $0x20, s26, s4, $0xb8;
	[tilespmem:$0x1D400] =	vst v63  }
0x391: {  	s29 =	sld [smem:$0x7FD]  }
0x392: {  	[tilespmem:s15], [sflag:$0x2] =	stream.indirect.gather [hbm4b:s3+s4], $0x20, s28, s4, $0xb8;
	[tilespmem:$0x1D400] =	vst v63  }
0x393: {  	_ = 	snop  }
0x394: {  	[tilespmem:s23], [sflag:$0x2] =	stream.indirect.gather [hbm4b:s3+s4], $0x20, s29, s4, $0xb8;
	[tilespmem:$0x1D400] =	vst v63  }
0x395: {  	_ =	swait.ge [sflag:s14], $0xD000  }
0x396: {  	[sflag:s14] =	ssyncset.done $0x0  }
0x397: {  	s30 =	rddreg [dreg:$0xa];
	[sflag:s14] =	ssyncadd.s32 $0xFFFF3000  }
0x398: {  	[hbm4b:s30+s2] =	stream.linear.scatter [tilespmem:s7], [sflag:$0x4], $0xD000, $0x38;
	[tilespmem:$0x1D400] =	vst v63  }
0x399: {  	_ =	swait.ge [sflag:s10], $0xD000  }
0x39a: {  	[sflag:s10] =	ssyncset.done $0x0  }
0x39b: {  	[sflag:s10] =	ssyncadd.s32 $0xFFFF3000  }
0x39c: {  	_ =	swait.ge [sflag:s8], $0xD000  }
0x39d: {  	[sflag:s8] =	ssyncset.done $0x0  }
0x39e: {  	[sflag:s8] =	ssyncadd.s32 $0xFFFF3000  }
0x39f: {  	_ =	sfence.sel $0x180000  }
0x3a0: {  	[bflag:$0x0] =	sbarrier.arrive $0xFFFF  }
0x3a1: {  	_ =	strace $0x90000047  }
0x3a2: {  	s31 =	stileid.u32;
	[bflag:$0x2] =	sbarrier.arrive $0xFFFF  }
0x3a3: {  	p0 =	sne.s32 s31, $0x0;
	s0 =	rddreg [dreg:$0x2]  }
0x3a4: {  	s0 =	sadd.s32 @!p0 $0x100000, s0  }
0x3a5: {  	[sflag:s0] =	ssyncadd.tile.s32 @!p0 $0x1;
	_ =	shalt  }
.LBB2_1:
.Ltmp3:
0x3a6: {  	(pc) =	sbr.rel .LBB2_6-.Ltmp3, $2  }
0x3a7: {  	_ =	sdelay $0x2  }
0x3a8: {  	s15 =	sld [smem:$0x7AC]  }
.LBB2_7:
.Ltmp4:
0x3a9: {  	(pc) =	sbr.rel .LBB2_6-.Ltmp4, $4  }
0x3aa: {  	s15 =	sld [smem:$0x7AC];
	s23 =	simm.s32 $0x1C400;
	s24 =	simm.s32 $0xB400  }
0x3ab: {  	s25 =	simm.s32 $0x1A400;
	s26 =	simm.s32 $0xC400;
	s28 =	simm.s32 $0x11400  }
0x3ac: {  	s29 =	simm.s32 $0x19400;
	s30 =	simm.s32 $0xD400;
	s11 =	simm.s32 $0x13400  }
0x3ad: {  	s6 =	simm.s32 $0x16400;
	s9 =	simm.s32 $0xF400;
	s16 =	simm.s32 $0x3400  }
.Lfunc_end2:
_tile_overlayer_lowered:
.L_overlay_start_2:
0x3ae: {  	(tag) =	ssettag $0x2  }
0x3af: {  	s0 =	rddreg [dreg:$0x0];
	s2 =	stileid.u32  }
0x3b0: {  	s1 =	rddreg [dreg:$0x1];
	p0 =	sne.s32 s2, $0x0  }
0x3b1: {  	s3 =	rddreg [dreg:$0x2];
	[bflag:$0x3] =	sbarrier.arrive $0xFFFF;
	s2 =	simm.s32 @!p0 $0x1C05  }
0x3b2: {  	[timem:s3], [sflag:s2] =	dma.local @!p0 [hbm:s0], s1  }
0x3b3: {  	s0 =	simm.s32 @!p0 $0x5  }
0x3b4: {  	_ =	swait.ge @!p0 [sflag:s0], s1  }
0x3b5: {  	s1 =	ssub.s32 @!p0 $0x0, s1;
	[sflag:s0] =	ssyncset.done @!p0 $0x0  }
0x3b6: {  	[sflag:s0] =	ssyncadd.s32 @!p0 s1  }
0x3b7: {  	[bflag:$0x3] =	sbarrier.arrive $0xFFFF  }
0x3b8: {  	_ =	shalt  }

// kernel: sparse-core-data-format-call.cloned.1.call-start
scs
called_computation_lowered:
.L_overlay_start_0:
0x0: {  	s2 =	sld [smem:$0x3FD9]  }
0x1: {  	s3 =	sld [smem:$0x3FFE];
	_ =	sdelay $0x1  }
0x2: {  	s1 =	srdreg.scid  }
0x3: {  	s0 =	sand.u32 $0x1, s1  }
0x4: {  	s18 =	sshll.u32 s0, $0xA;
	s2 =	sadd.s32 s3, s2  }
0x5: {  	s2 =	sadd.s32 s2, s18  }
0x6: {  	[smem:$0x3FC6] =	sst s2  }
0x7: {  	_ = 	snop  }
0x8: {  	s2 =	sld [smem:$0x3FD0];
	(tm) =	ssettm $0x1  }
0x9: {  	s19 =	sld [smem:$0x3FFB];
	_ =	sdelay $0x3  }
0xa: {  	_ =	strace s19  }
0xb: {  	s3 =	sld [smem:$0x3FFC];
	_ =	sdelay $0x3  }
0xc: {  	_ =	strace s3  }
0xd: {  	s3 =	sld [smem:$0x3FFD];
	_ =	sdelay $0x3  }
0xe: {  	_ =	strace s3  }
0xf: {  	_ =	strace $0x8FFFFFFF  }
0x10: {  	s20 =	sld [smem:$0x3FDB];
	_ =	sdelay $0x1  }
0x11: {  	s4 =	simm.s32 $_scs_section_size  }
0x12: {  	s5 =	simm.s32 $_size__tile_overlayer_lowered;
	s6 =	simm.s32 $_tile_overlayer_lowered  }
0x13: {  	s23 =	simm.s32 $0x1BFF;
	s22 =	sshll.u32 s6, $0x1;
	s3 =	sadd.s32 s4, s20  }
0x14: {  	s7 =	simm.s32 $0x0;
	s21 =	sshll.u32 s5, $0x1;
	s5 =	sadd.s32 s22, s3  }
0x15: {  	[timem:s7], [sflag:s23] =	dma.local [hbm:s5], s21  }
0x16: {  	_ =	swait.ge [sflag:s23], s21  }
0x17: {  	s4 =	ssub.s32 $0x0, s21;
	[sflag:s23] =	ssyncset.done $0x0  }
0x18: {  	[sflag:s23] =	ssyncadd.s32 s4;
	_ =	sdelay $0x1  }
0x19: {  	s24 =	simm.s32 $0x1B8B  }
0x1a: {  	_ =	swait.ge [sflag:s24], $0x1  }
0x1b: {  	[sflag:s24] =	ssyncset.done $0x0  }
0x1c: {  	s26 =	simm.s32 $0x1B8E;
	s25 =	sld [smem:$0x3FFE];
	[sflag:s24] =	ssyncadd.s32 $0xFFFFFFFF  }
0x1d: {  	s27 =	simm.s32 $execute0_lowered;
	[smem:$0x3FD2] =	sst s26  }
0x1e: {  	s5 =	sshll.u32 s27, $0x1;
	_ =	strace $0x80000049;
	[dreg:$0x1] =	wrdreg $0xFFFFFFFF  }
0x1f: {  	s28 =	simm.s32 $_size_execute0_lowered;
	s3 =	sadd.s32 s3, s5;
	[dreg:$0x0] =	wrdreg $0x0  }
0x20: {  	s5 =	sshll.u32 s28, $0x1;
	[dreg:$0x2] =	wrdreg s3  }
0x21: {  	[dreg:$0x3] =	wrdreg s5  }
0x22: {  	[dreg:$0x4] =	wrdreg $0xC0  }
0x23: {  	_ =	task [dreg:s7], $0x5FFFF  }
0x24: {  	[dreg:$0x1] =	wrdreg $0xFFFFFFFF  }
0x25: {  	[dreg:$0x0] =	wrdreg $0x60  }
0x26: {  	[dreg:$0x2] =	wrdreg s25  }
0x27: {  	[dreg:$0x3] =	wrdreg s2  }
0x28: {  	[dreg:$0x4] =	wrdreg $0x9  }
0x29: {  	_ =	task.clear_ibuf [dreg:s7], $0x5FFFF;
	_ =	strace $0x90000049  }
0x2a: {  	s29 =	simm.s32 $0x9;
	_ =	strace $0x8000004B  }
0x2b: {  	_ =	swait.ge [sflag:s29], $0x1  }
0x2c: {  	[sflag:s29] =	ssyncadd.s32 $0xFFFFFFFF  }
0x2d: {  	_ =	strace $0x9000004B  }
0x2e: {  	_ =	sfence  }
0x2f: {  	s30 =	sld [smem:$0x0];
	_ =	sdelay $0x2  }
0x30: {  	s31 =	sshll.u32 s1, $0xD;
	s1 =	sshrl.u32 s1, $0x2  }
0x31: {  	s3 =	sand.u32 $0x4000, s31;
	s1 =	sadd.s32 s1, s30  }
0x32: {  	s0 =	sor.u32 s3, s0;
	s1 =	sshll.u32 s1, $0x11  }
0x33: {  	s0 =	sor.u32 s1, s0  }
0x34: {  	s0 =	sadd.s32 $0x8F2B, s0  }
0x35: {  	[sflag:s0] =	ssyncadd.remote.s32 $0x1  }
0x36: {  	_ =	sfence.sel $0xFFFF  }
0x37: {  	[dreg:$0x0] =	wrdreg $0xFFFFFFFF;
	(pc) =	sbr.abs _section_cstart, $3  }
0x38: {  	[dreg:$0x1] =	wrdreg $0xFFFFFFFF  }
0x39: {  	_ =	task.clear_ibuf [dreg:s7], $0x2FFFF;
	_ =	strace $0x9FFFFFFF  }
0x3a: {  	(tm) =	ssettm $0x7FFFFFFF  }
0x3b: {  	_ =	shalt  }
tec
execute0_lowered:
.L_overlay_start_1:
0x0: {  	(tag) =	ssettag $0x1  }
0x1: {  	s0 =	srdreg.scid  }
0x2: {  	s1 =	sshll.u32 s0, $0x4  }
0x3: {  	s0 =	stileid.u32;
	s1 =	sand.u32 $0x10, s1  }
0x4: {  	s1 =	sor.u32 s0, s1  }
0x5: {  	s6 =	rddreg [dreg:$0x0];
	s4 =	simm.s32 $0x1;
	s2 =	sshll.u32 s1, $0x7  }
0x6: {  	s7 =	simm.s32 $0x2;
	s12 =	simm.s32 $0x0;
	s1 =	ssub.s32 $0x4000, s2  }
0x7: {  	s8 =	simm.s32 $0x20000;
	s13 =	simm.s32 $0x0;
	s3 =	sand.u32 $0xF80, s1  }
0x8: {  	s9 =	simm.s32 $0x0;
	s5 =	sshrl.u32 s1, $0xC;
	p0 =	sne.s32 s3, $0x0  }
.Ltmp0:
0x9: {  	s1 =	rddreg [dreg:$0x2];
	s4 =	simm.s32 @!p0 $0x0;
	(pc) =	sbr.rel .LBB1_1-.Ltmp0, $4  }
0xa: {  	s11 =	simm.s32 $0x0;
	s3 =	rddreg [dreg:$0x1];
	s5 =	sadd.s32 s4, s5  }
0xb: {  	_ =	strace $0x8000004A;
	s4 =	simm.s32 $0x1;
	s5 =	smul.u32 $0x1A, s5  }
0xc: {  	s6 =	sadd.s32 $0xA00, s6;
	s10 =	smov.u32 s2;
	[sflag:s4] =	ssyncpa.u1 $0x0  }
0xd: {  	p0 =	por $0x0, $0x0;
	[sflag:s7] =	ssyncpa.u1 $0x0;
	s7 =	sor.u32 $0x1, s5  }
.LBB1_4:
0xe: {  	s16 =	sshll.u32 s13, $0x3;
	s17 =	sand.u32 $0x78, s13  }
0xf: {  	s30 =	sand.u32 $0xF800, s13;
	s12 =	sshll.u32 s12, $0x10;
	s16 =	sand.u32 $0x3C00, s16  }
0x10: {  	s31 =	sand.u32 $0x7, s13;
	s16 =	sor.u32 s17, s16;
	s17 =	sadd.s32 s3, s30  }
0x11: {  	s13 =	sshll.u32 s31, $0x12;
	s16 =	sshrl.u32 s16, $0x3;
	s12 =	sadd.s32 s12, s17  }
0x12: {  	[tilespmem:s15+$0x0 ss:$0x81] =	vst.msk $0xffff, v0;
	s13 =	sor.u32 $0x400, s13;
	s12 =	sadd.s32 s16, s12  }
0x13: {  	[hbm4b:s12+s13] =	stream.strided.scatter [tilespmem:s14], [sflag:$0x2], $0x1000, s8, s13, $0x20;
	[tilespmem:$0x4040] =	vst v63  }
.LBB1_5:
0x14: {  	s14 =	sadd.s32 $0x1, s9  }
0x15: {  	s12 =	sadd.s32 $0x1000, s10;
	s16 =	smov.u32 s10;
	p2 =	sgt.s32 s14, $0x19  }
0x16: {  	s16 =	smov.u32 @p2 s12  }
0x17: {  	s14 =	simm.s32 @p2 $0x0;
	p2 =	sgt.s32 s16, $0x3FFF  }
0x18: {  	s16 =	smov.u32 @p2 s2;
	p2 =	sne.s32 s11, s7  }
.Ltmp1:
0x19: {  	p1 =	slt.u32 s11, $0x2;
	(pc) =	sbr.rel @!p2 .LBB1_6-.Ltmp1, $4  }
0x1a: {  	s15 =	simm.s32 @!p1 $0x2  }
0x1b: {  	s13 =	smov.u32 s10;
	p0 =	por !p0, !p0;
	_ =	swait.ge @!p1 [sflag:s15], $0x1000  }
0x1c: {  	s12 =	smov.u32 s9;
	[sflag:s15] =	ssyncset.done @!p1 $0x0;
	s9 =	smov.u32 s14  }
0x1d: {  	s11 =	sadd.s32 $0x1, s11;
	[sflag:s15] =	ssyncadd.s32 @!p1 $0xFFFFF000;
	s10 =	smov.u32 s16  }
.LBB1_1:
0x1e: {  	p1 =	sge.u32 s11, s5  }
0x1f: {  	s31 =	sadd.s32 $0xFFFFFFFF, s11;
	s14 =	sxor.u32 @!p1 $0xFFFFFFFF, s11  }
0x20: {  	s15 =	sshll.u32 @!p1 s10, $0x9;
	s16 =	sshll.u32 @!p1 s9, $0x4;
	s17 =	simm.s32 @!p1 $0x1000  }
0x21: {  	s14 =	sshll.u32 @!p1 s14, $0xC;
	s16 =	sand.u32 @!p1 $0x1F0, s16;
	s15 =	sadd.s32 @!p1 s6, s15  }
0x22: {  	s14 =	sand.u32 @!p1 $0x1000, s14;
	s15 =	sadd.s32 @!p1 s16, s15;
	s16 =	simm.s32 @!p1 $0x20  }
0x23: {  	[tilespmem:s14], [sflag:$0x1] =	stream.strided.gather @!p1 [hbm4b:s15+s16], $0x1000, s17, s16, $0x38;
	[tilespmem:$0x4040] =	vst v63  }
0x24: {  	p1 =	sge.u32 s31, s5  }
.Ltmp2:
0x25: {  	_ = 	snop;
	(pc) =	sbr.rel @p1 .LBB1_5-.Ltmp2, $1  }
0x26: {  	_ =	sdelay $0x3  }
0x27: {  	s14 =	simm.s32 $0x1  }
0x28: {  	_ =	swait.ge [sflag:s4], $0x1000;
	s14 =	simm.s32 @!p0 $0x0  }
0x29: {  	[sflag:s4] =	ssyncset.done $0x0;
	s15 =	sshll.u32 s14, $0xC  }
0x2a: {  	[sflag:s4] =	ssyncadd.s32 $0xFFFFF000;
	s18 =	sor.u32 $0x10, s15  }
0x2b: {  	s14 =	smul.u32 $0x4080, s14;
	v1 =	vld [tilespmem:s18+$0x0]  }
0x2c: {  	s30 =	sand.u32 $0x1, s11;
	v0 =	vld [tilespmem:s18+$0xFFFFFFF0]  }
0x2d: {  	s15 =	smul.u32 $0x4080, s30;
	s14 =	sshrl.u32 s14, $0x2  }
0x2e: {  	s16 =	sor.u32 $0x2000, s14  }
0x2f: {  	s31 =	sshrl.u32 s15, $0x2;
	s15 =	sadd.s32 $0x0, s16  }
0x30: {  	s17 =	simm.s32 $0x4;
	s18 =	sadd.s32 $0x20, s18;
	s14 =	sor.u32 $0x2000, s31;
	[tilespmem:s15+$0x810 ss:$0x81] =	vst.msk $0xffff, v1  }
.LBB1_3:
0x31: {  	v1 =	vld [tilespmem:s18+$0x0];
	p1 =	sne.s32 s17, $0x1FC;
	[tilespmem:s15+$0x0 ss:$0x81] =	vst.msk $0xffff, v0;
	s15 =	smov.u32 s17;
	s17 =	sadd.s32 $0x4, s17  }
.Ltmp3:
0x32: {  	v0 =	vld [tilespmem:s18+$0xFFFFFFF0];
	(pc) =	sbr.rel @p1 .LBB1_3-.Ltmp3, $4  }
0x33: {  	_ = 	snop  }
0x34: {  	s15 =	sshra.s32 s15, $0x2  }
0x35: {  	s15 =	sadd.s32 s15, s16  }
0x36: {  	s18 =	sadd.s32 $0x20, s18;
	[tilespmem:s15+$0x810 ss:$0x81] =	vst.msk $0xffff, v1  }
.Ltmp4:
0x37: {  	_ = 	snop;
	(pc) =	sbr.rel .LBB1_4-.Ltmp4, $1  }
0x38: {  	_ =	sdelay $0x3  }
.LBB1_6:
0x39: {  	_ =	sfence.sel $0x180000  }
0x3a: {  	s2 =	simm.s32 $0x1;
	[bflag:$0x0] =	sbarrier.arrive $0xFFFF  }
0x3b: {  	s31 =	simm.s32 $0x2;
	[sflag:s2] =	ssyncpa.u1 $0x1  }
0x3c: {  	[sflag:s31] =	ssyncpa.u1 $0x1  }
0x3d: {  	p0 =	sne.s32 s0, $0x0;
	_ =	strace $0x9000004A  }
0x3e: {  	s0 =	sadd.s32 @!p0 $0x100000, s1;
	[bflag:$0x2] =	sbarrier.arrive $0xFFFF  }
0x3f: {  	[sflag:s0] =	ssyncadd.tile.s32 @!p0 $0x1;
	_ =	shalt  }
.Lfunc_end1:
_tile_overlayer_lowered:
.L_overlay_start_2:
0x40: {  	(tag) =	ssettag $0x2  }
0x41: {  	s0 =	rddreg [dreg:$0x0];
	s2 =	stileid.u32  }
0x42: {  	s1 =	rddreg [dreg:$0x1];
	p0 =	sne.s32 s2, $0x0  }
0x43: {  	s3 =	rddreg [dreg:$0x2];
	[bflag:$0x3] =	sbarrier.arrive $0xFFFF;
	s2 =	simm.s32 @!p0 $0x1C01  }
0x44: {  	[timem:s3], [sflag:s2] =	dma.local @!p0 [hbm:s0], s1  }
0x45: {  	s0 =	simm.s32 @!p0 $0x1  }
0x46: {  	_ =	swait.ge @!p0 [sflag:s0], s1  }
0x47: {  	s1 =	ssub.s32 @!p0 $0x0, s1;
	[sflag:s0] =	ssyncset.done @!p0 $0x0  }
0x48: {  	[sflag:s0] =	ssyncadd.s32 @!p0 s1  }
0x49: {  	[bflag:$0x3] =	sbarrier.arrive $0xFFFF  }
0x4a: {  	_ =	shalt  }

</sc_bundles>
